<compile_context>
chip_gen: v7x
topology: tpu7x:2x2x1
jax: 0.10.2.dev20260603
libtpu: 0.0.44.dev20260713+nightly
codegen_flags: <defaults>
</compile_context>

<pallas_src>
import functools

import jax
import jax.numpy as jnp
from jax import lax
from jax.experimental import pallas as pl
from jax.experimental.pallas import tpu as pltpu
from jax.experimental.pallas import tpu_sc as plsc

N = 10000
E = 320000
NC = 2
NS = 16
CH = 128
R0 = 632
RLAST = N - (NS - 1) * R0

_MESH = dict(core_axis_name="c", subcore_axis_name="s", num_cores=NC,
             num_subcores=NS)


def _rowwise_copy(s, make_src, make_dst):
    row0 = s * R0

    @pl.when(s < NS - 1)
    def _():
        pltpu.sync_copy(make_src(row0, R0), make_dst(row0, R0))

    @pl.when(s == NS - 1)
    def _():
        pltpu.sync_copy(make_src((NS - 1) * R0, RLAST),
                        make_dst((NS - 1) * R0, RLAST))


def _chunk_range(s, total_chunks):
    base = total_chunks // NS
    rem = total_chunks % NS
    n = base + jnp.where(s < rem, 1, 0)
    start = base * s + jnp.minimum(s, rem)
    return start, n


@functools.partial(
    pl.kernel,
    out_type=jax.ShapeDtypeStruct((NC, N, 8), jnp.float32),
    mesh=plsc.VectorSubcoreMesh(**_MESH),
    scratch_types=[
        pltpu.VMEM((CH,), jnp.int32),
        pltpu.VMEM((CH, 8), jnp.float32),
        pltpu.VMEM_SHARED((N, 8), jnp.float32),
    ],
)
def _sc_deg(dst_hbm, const_hbm, out_hbm, didx, ones_rows, accum):
    c = lax.axis_index("c")
    s = lax.axis_index("s")
    pltpu.sync_copy(const_hbm.at[pl.ds(N, CH)], ones_rows)
    _rowwise_copy(s, lambda r, m: const_hbm.at[pl.ds(r, m)],
                  lambda r, m: accum.at[pl.ds(r, m)])
    plsc.subcore_barrier()

    half = (E // 2) // CH
    start, n = _chunk_range(s, half)

    def body(k, carry):
        off = c * (E // 2) + (start + k) * CH
        pltpu.sync_copy(dst_hbm.at[pl.ds(off, CH)], didx)
        pltpu.sync_copy(ones_rows, accum.at[didx], add=True)
        return carry

    lax.fori_loop(0, n, body, 0)
    plsc.subcore_barrier()
    _rowwise_copy(s, lambda r, m: accum.at[pl.ds(r, m)],
                  lambda r, m: out_hbm.at[c, pl.ds(r, m)])


@functools.partial(
    pl.kernel,
    out_type=jax.ShapeDtypeStruct((NC * N, 128), jnp.float32),
    mesh=plsc.VectorSubcoreMesh(**_MESH),
    scratch_types=[
        pltpu.VMEM((CH,), jnp.int32),
        pltpu.VMEM((CH,), jnp.int32),
        pltpu.VMEM((CH, 128), jnp.float32),
        pltpu.VMEM_SHARED((N, 128), jnp.float32),
        pltpu.SemaphoreType.DMA,
    ],
)
def _sc_agg(y_hbm, srcp_hbm, dst_hbm, out_hbm, gidx, didx, rows, accum, sem):
    c = lax.axis_index("c")
    s = lax.axis_index("s")
    _rowwise_copy(s, lambda r, m: y_hbm.at[pl.ds(c * N + r, m)],
                  lambda r, m: accum.at[pl.ds(r, m)])
    plsc.subcore_barrier()

    start, n = _chunk_range(s, E // CH)

    def body(k, carry):
        off = (start + k) * CH
        pltpu.sync_copy(srcp_hbm.at[pl.ds(c * E + off, CH)], gidx)
        pltpu.sync_copy(dst_hbm.at[pl.ds(off, CH)], didx)
        pltpu.async_copy(y_hbm.at[gidx], rows, sem).wait()
        pltpu.sync_copy(rows, accum.at[didx], add=True)
        return carry

    lax.fori_loop(0, n, body, 0)
    plsc.subcore_barrier()
    _rowwise_copy(s, lambda r, m: accum.at[pl.ds(r, m)],
                  lambda r, m: out_hbm.at[pl.ds(c * N + r, m)])


_BM = 1000
_GRID = N // _BM


def _t1_body(x_ref, w_ref, degp_ref, y_ref, dinv_ref):
    deg = degp_ref[0, :, 0:1] + degp_ref[1, :, 0:1]
    dinv = lax.rsqrt(deg)
    xw = jnp.dot(x_ref[:], w_ref[:], preferred_element_type=jnp.float32)
    y = xw * dinv
    y_ref[0] = y[:, :128]
    y_ref[1] = y[:, 128:]
    dinv_ref[:] = dinv


def _t1(x, w1, degp):
    return pl.pallas_call(
        _t1_body,
        grid=(_GRID,),
        in_specs=[
            pl.BlockSpec((_BM, 128), lambda i: (i, 0)),
            pl.BlockSpec((128, 256), lambda i: (0, 0)),
            pl.BlockSpec((NC, _BM, 8), lambda i: (0, i, 0)),
        ],
        out_specs=[
            pl.BlockSpec((NC, _BM, 128), lambda i: (0, i, 0)),
            pl.BlockSpec((_BM, 1), lambda i: (i, 0)),
        ],
        out_shape=[
            jax.ShapeDtypeStruct((NC, N, 128), jnp.float32),
            jax.ShapeDtypeStruct((N, 1), jnp.float32),
        ],
    )(x, w1, degp)


def _t2_body(a_ref, dinv_ref, b_ref, w_ref, y_ref):
    dinv = dinv_ref[:]
    x1a = jnp.maximum(a_ref[0] * dinv + b_ref[0], 0.0)
    x1b = jnp.maximum(a_ref[1] * dinv + b_ref[1], 0.0)
    h = (jnp.dot(x1a, w_ref[0], preferred_element_type=jnp.float32)
         + jnp.dot(x1b, w_ref[1], preferred_element_type=jnp.float32))
    y = h * dinv
    y_ref[0] = y[:, :128]
    y_ref[1] = y[:, 128:]


def _t2(a1, dinv, b1r, w2r):
    return pl.pallas_call(
        _t2_body,
        grid=(_GRID,),
        in_specs=[
            pl.BlockSpec((NC, _BM, 128), lambda i: (0, i, 0)),
            pl.BlockSpec((_BM, 1), lambda i: (i, 0)),
            pl.BlockSpec((NC, 1, 128), lambda i: (0, 0, 0)),
            pl.BlockSpec((NC, 128, 256), lambda i: (0, 0, 0)),
        ],
        out_specs=pl.BlockSpec((NC, _BM, 128), lambda i: (0, i, 0)),
        out_shape=jax.ShapeDtypeStruct((NC, N, 128), jnp.float32),
    )(a1, dinv, b1r, w2r)


def _t3_body(a_ref, dinv_ref, b2_ref, wa1_ref, ba1_ref, wa2_ref, ba2_ref,
             wc1_ref, bc1_ref, wc2_ref, bc2_ref, lg_ref, val_ref, pr_ref):
    dinv = dinv_ref[:]
    x2a = jnp.maximum(a_ref[0] * dinv + b2_ref[0], 0.0)
    x2b = jnp.maximum(a_ref[1] * dinv + b2_ref[1], 0.0)
    ha = jnp.maximum(
        jnp.dot(x2a, wa1_ref[0], preferred_element_type=jnp.float32)
        + jnp.dot(x2b, wa1_ref[1], preferred_element_type=jnp.float32)
        + ba1_ref[:], 0.0)
    logits = jnp.dot(ha, wa2_ref[:], preferred_element_type=jnp.float32) + ba2_ref[:]
    hc = jnp.maximum(
        jnp.dot(x2a, wc1_ref[0], preferred_element_type=jnp.float32)
        + jnp.dot(x2b, wc1_ref[1], preferred_element_type=jnp.float32)
        + bc1_ref[:], 0.0)
    val = jnp.dot(hc, wc2_ref[:], preferred_element_type=jnp.float32) + bc2_ref[:]
    m = jnp.max(logits, axis=-1, keepdims=True)
    ex = jnp.exp(logits - m)
    lg_ref[:] = logits
    val_ref[:] = val
    pr_ref[:] = ex / jnp.sum(ex, axis=-1, keepdims=True)


def _t3(a2, dinv, b2r, wa1r, ba1, wa2, ba2, wc1r, bc1, wc2, bc2):
    return pl.pallas_call(
        _t3_body,
        grid=(_GRID,),
        in_specs=[
            pl.BlockSpec((NC, _BM, 128), lambda i: (0, i, 0)),
            pl.BlockSpec((_BM, 1), lambda i: (i, 0)),
            pl.BlockSpec((NC, 1, 128), lambda i: (0, 0, 0)),
            pl.BlockSpec((NC, 128, 128), lambda i: (0, 0, 0)),
            pl.BlockSpec((1, 128), lambda i: (0, 0)),
            pl.BlockSpec((128, 8), lambda i: (0, 0)),
            pl.BlockSpec((1, 8), lambda i: (0, 0)),
            pl.BlockSpec((NC, 128, 128), lambda i: (0, 0, 0)),
            pl.BlockSpec((1, 128), lambda i: (0, 0)),
            pl.BlockSpec((128, 1), lambda i: (0, 0)),
            pl.BlockSpec((1, 1), lambda i: (0, 0)),
        ],
        out_specs=[
            pl.BlockSpec((_BM, 8), lambda i: (i, 0)),
            pl.BlockSpec((_BM, 1), lambda i: (i, 0)),
            pl.BlockSpec((_BM, 8), lambda i: (i, 0)),
        ],
        out_shape=[
            jax.ShapeDtypeStruct((N, 8), jnp.float32),
            jax.ShapeDtypeStruct((N, 1), jnp.float32),
            jax.ShapeDtypeStruct((N, 8), jnp.float32),
        ],
    )(a2, dinv, b2r, wa1r, ba1, wa2, ba2, wc1r, bc1, wc2, bc2)


def kernel(x, edge_index, W1, b1, W2, b2, Wa1, ba1, Wa2, ba2, Wc1, bc1,
           Wc2, bc2):
    src = edge_index[0]
    dst = edge_index[1]
    srcp = jnp.concatenate([src, src + N])
    const = jnp.concatenate([jnp.full((N, 8), 0.5, jnp.float32),
                             jnp.ones((CH, 8), jnp.float32)])

    degp = _sc_deg(dst, const)
    y1, dinv = _t1(x, W1, degp)

    a1 = _sc_agg(y1.reshape(NC * N, 128), srcp, dst).reshape(NC, N, 128)
    b1r = b1.reshape(NC, 1, 128)
    w2r = W2.reshape(NC, 128, 256)
    y2 = _t2(a1, dinv, b1r, w2r)

    a2 = _sc_agg(y2.reshape(NC * N, 128), srcp, dst).reshape(NC, N, 128)
    logits, values, probs = _t3(
        a2, dinv, b2.reshape(NC, 1, 128),
        Wa1.reshape(NC, 128, 128), ba1.reshape(1, 128), Wa2,
        ba2.reshape(1, 8),
        Wc1.reshape(NC, 128, 128), bc1.reshape(1, 128), Wc2,
        bc2.reshape(1, 1))
    return (logits, values, probs)

# --- scband reference (transcript-rebuilt; emitter-appended) ---
"""Pipeline reference for scband-gnnppopolicy-24309514895575 (READ-ONLY COPY).

The authoritative reference and input builder live on the scoring server;
editing this copy changes nothing except your own understanding.
"""

import jax, jax.numpy as jnp
import numpy as np

N = 10000
E = 320000
F_IN = 128
HID = 512  # hidden_dim; conv layers use hidden_dim // 2 = 256
H2 = HID // 2   # 256
H4 = HID // 4   # 128
OUT = 8


def setup_inputs(seed: int = 0) -> dict:
    key = jax.random.key(seed)
    ks = jax.random.split(key, 16)
    x = jax.random.normal(ks[0], (N, F_IN), dtype=jnp.float32)
    edge_index = jax.random.randint(ks[1], (2, E), 0, N, dtype=jnp.int32)

    def glorot(k, shape):
        fan_in, fan_out = shape[0], shape[1]
        limit = float(np.sqrt(6.0 / (fan_in + fan_out)))
        return jax.random.uniform(k, shape, dtype=jnp.float32, minval=-limit, maxval=limit)

    # GCNConv weights (stored as [in, out] for x @ W)
    W1 = glorot(ks[2], (F_IN, H2)); b1 = jnp.zeros((H2,), jnp.float32)
    W2 = glorot(ks[3], (H2, H2));   b2 = jnp.zeros((H2,), jnp.float32)
    # actor MLP: Linear(H2, H4) -> ReLU -> Linear(H4, OUT)
    Wa1 = glorot(ks[4], (H2, H4)); ba1 = jnp.zeros((H4,), jnp.float32)
    Wa2 = glorot(ks[5], (H4, OUT)); ba2 = jnp.zeros((OUT,), jnp.float32)
    # critic MLP: Linear(H2, H4) -> ReLU -> Linear(H4, 1)
    Wc1 = glorot(ks[6], (H2, H4)); bc1 = jnp.zeros((H4,), jnp.float32)
    Wc2 = glorot(ks[7], (H4, 1));  bc2 = jnp.zeros((1,), jnp.float32)

    return {
        "x": x, "edge_index": edge_index,
        "W1": W1, "b1": b1, "W2": W2, "b2": b2,
        "Wa1": Wa1, "ba1": ba1, "Wa2": Wa2, "ba2": ba2,
        "Wc1": Wc1, "bc1": bc1, "Wc2": Wc2, "bc2": bc2,
    }


def gcn_conv(x, edge_index, W, b):
    # PyG GCNConv: add self-loops, symmetric normalization D^-1/2 (A+I) D^-1/2 (X W) + bias
    n = x.shape[0]
    src = edge_index[0]
    dst = edge_index[1]
    loop = jnp.arange(n, dtype=src.dtype)
    src = jnp.concatenate([src, loop])
    dst = jnp.concatenate([dst, loop])
    deg = jax.ops.segment_sum(jnp.ones_like(dst, dtype=x.dtype), dst, num_segments=n)
    dinv = jnp.where(deg > 0, deg ** -0.5, 0.0)
    norm = dinv[src] * dinv[dst]
    xw = x @ W
    msg = jnp.take(xw, src, axis=0) * norm[:, None]
    out = jax.ops.segment_sum(msg, dst, num_segments=n)
    return out + b


def reference(x, edge_index, W1, b1, W2, b2, Wa1, ba1, Wa2, ba2, Wc1, bc1, Wc2, bc2):
    # Dropout layers are identity in eval mode.
    x1 = jax.nn.relu(gcn_conv(x, edge_index, W1, b1))
    x2 = jax.nn.relu(gcn_conv(x1, edge_index, W2, b2))
    ha = jax.nn.relu(x2 @ Wa1 + ba1)
    logits = ha @ Wa2 + ba2
    hc = jax.nn.relu(x2 @ Wc1 + bc1)
    values = hc @ Wc2 + bc2
    action_probs = jax.nn.softmax(logits, axis=-1)
    return (logits, values, action_probs)

if __name__ == "__main__":
    import jax
    _d = setup_inputs()
    print(jax.jit(kernel)(*tuple(_d.values())))

</pallas_src>

<mosaic_0001>
#map = affine_map<(d0, d1) -> (0, 0)>
#map1 = affine_map<(d0, d1) -> (0)>
module attributes {stable_mosaic.version = 14 : i64} {
  func.func @_sc_agg(%arg0: i32, %arg1: i32, %arg2: memref<20000x128xf32, #tpu.memory_space<hbm>>, %arg3: memref<640000xi32, #tpu.memory_space<hbm>>, %arg4: memref<320000xi32, #tpu.memory_space<hbm>>, %arg5: memref<20000x128xf32, #tpu.memory_space<hbm>>, %arg6: memref<128xi32, #tpu.memory_space<vmem>>, %arg7: memref<128xi32, #tpu.memory_space<vmem>>, %arg8: memref<128x128xf32, #tpu.memory_space<vmem>>, %arg9: memref<10000x128xf32, #tpu.memory_space<vmem_shared>>, %arg10: memref<!tpu.dma_semaphore, #tpu.memory_space<semaphore_mem>>) attributes {dimension_semantics = [#tpu.dimension_semantics<core_parallel>, #tpu.dimension_semantics<subcore_parallel>], iteration_bounds = array<i64: 2, 16>, scalar_prefetch = 0 : i64, scratch_operands = 5 : i64, tpu.core_type = #tpu.core_type<sc_vector_subcore>, window_params = [{transform_indices = #map}, {transform_indices = #map1}, {transform_indices = #map1}, {transform_indices = #map}]} {
    %mul3A = arith.constant 632 : i32
    %mul3A_0 = arith.muli %arg1, %mul3A : i32
    %lt3A = arith.constant 15 : i32
    %lt3A_1 = arith.cmpi slt, %arg1, %lt3A : i32
    %convert_element_type3A = arith.extui %lt3A_1 : i1 to i32
    %cond3A = arith.constant 0 : i32
    %cond3A_2 = arith.cmpi ne, %convert_element_type3A, %cond3A : i32
    scf.if %cond3A_2 {
      %mul3A_37 = arith.constant 10000 : i32
      %mul3A_38 = arith.muli %arg0, %mul3A_37 : i32
      %add3A_39 = arith.addi %mul3A_38, %mul3A_0 : i32
      "tpu.region"() ({
        %run_scoped3A = tpu.sem_alloc : memref<!tpu.dma_semaphore, #tpu.memory_space<semaphore_mem>>
        %dma_start3A = arith.constant 0 : i32
        %dma_start3A_40 = tpu.memref_slice %arg9[%mul3A_0, %dma_start3A] : memref<10000x128xf32, #tpu.memory_space<vmem_shared>> -> memref<632x128xf32, #tpu.memory_space<vmem_shared>>
        %dma_start3A_41 = arith.constant 0 : i32
        %dma_start3A_42 = tpu.memref_slice %arg2[%add3A_39, %dma_start3A_41] : memref<20000x128xf32, #tpu.memory_space<hbm>> -> memref<632x128xf32, #tpu.memory_space<hbm>>
        tpu.enqueue_dma source(%dma_start3A_42 : memref<632x128xf32, #tpu.memory_space<hbm>>) target(%dma_start3A_40 : memref<632x128xf32, #tpu.memory_space<vmem_shared>>) target_semaphore(%run_scoped3A : memref<!tpu.dma_semaphore, #tpu.memory_space<semaphore_mem>>)
        %dma_wait3A = arith.constant 0 : i32
        %dma_wait3A_43 = tpu.memref_slice %arg9[%mul3A_0, %dma_wait3A] : memref<10000x128xf32, #tpu.memory_space<vmem_shared>> -> memref<632x128xf32, #tpu.memory_space<vmem_shared>>
        %dma_wait3A_44 = arith.constant 0 : i32
        %dma_wait3A_45 = tpu.memref_slice %arg2[%add3A_39, %dma_wait3A_44] : memref<20000x128xf32, #tpu.memory_space<hbm>> -> memref<632x128xf32, #tpu.memory_space<hbm>>
        tpu.wait_dma2 semaphore(%run_scoped3A : memref<!tpu.dma_semaphore, #tpu.memory_space<semaphore_mem>>) src(%dma_wait3A_45 : memref<632x128xf32, #tpu.memory_space<hbm>>) dst(%dma_wait3A_43 : memref<632x128xf32, #tpu.memory_space<vmem_shared>>)
        tpu.yield
      }) : () -> ()
    } else {
    }
    %eq3A = arith.constant 15 : i32
    %eq3A_3 = arith.cmpi eq, %arg1, %eq3A : i32
    %convert_element_type3A_4 = arith.extui %eq3A_3 : i1 to i32
    %cond3A_5 = arith.constant 0 : i32
    %cond3A_6 = arith.cmpi ne, %convert_element_type3A_4, %cond3A_5 : i32
    scf.if %cond3A_6 {
      %mul3A_37 = arith.constant 10000 : i32
      %mul3A_38 = arith.muli %arg0, %mul3A_37 : i32
      %add3A_39 = arith.constant 9480 : i32
      %add3A_40 = arith.addi %mul3A_38, %add3A_39 : i32
      "tpu.region"() ({
        %run_scoped3A = tpu.sem_alloc : memref<!tpu.dma_semaphore, #tpu.memory_space<semaphore_mem>>
        %dma_start3A = arith.constant 9480 : i32
        %dma_start3A_41 = arith.constant 0 : i32
        %dma_start3A_42 = tpu.memref_slice %arg9[%dma_start3A, %dma_start3A_41] : memref<10000x128xf32, #tpu.memory_space<vmem_shared>> -> memref<520x128xf32, #tpu.memory_space<vmem_shared>>
        %dma_start3A_43 = arith.constant 0 : i32
        %dma_start3A_44 = tpu.memref_slice %arg2[%add3A_40, %dma_start3A_43] : memref<20000x128xf32, #tpu.memory_space<hbm>> -> memref<520x128xf32, #tpu.memory_space<hbm>>
        tpu.enqueue_dma source(%dma_start3A_44 : memref<520x128xf32, #tpu.memory_space<hbm>>) target(%dma_start3A_42 : memref<520x128xf32, #tpu.memory_space<vmem_shared>>) target_semaphore(%run_scoped3A : memref<!tpu.dma_semaphore, #tpu.memory_space<semaphore_mem>>)
        %dma_wait3A = arith.constant 9480 : i32
        %dma_wait3A_45 = arith.constant 0 : i32
        %dma_wait3A_46 = tpu.memref_slice %arg9[%dma_wait3A, %dma_wait3A_45] : memref<10000x128xf32, #tpu.memory_space<vmem_shared>> -> memref<520x128xf32, #tpu.memory_space<vmem_shared>>
        %dma_wait3A_47 = arith.constant 0 : i32
        %dma_wait3A_48 = tpu.memref_slice %arg2[%add3A_40, %dma_wait3A_47] : memref<20000x128xf32, #tpu.memory_space<hbm>> -> memref<520x128xf32, #tpu.memory_space<hbm>>
        tpu.wait_dma2 semaphore(%run_scoped3A : memref<!tpu.dma_semaphore, #tpu.memory_space<semaphore_mem>>) src(%dma_wait3A_48 : memref<520x128xf32, #tpu.memory_space<hbm>>) dst(%dma_wait3A_46 : memref<520x128xf32, #tpu.memory_space<vmem_shared>>)
        tpu.yield
      }) : () -> ()
    } else {
    }
    %barrier3A = arith.constant 0 : index
    tpu.barrier barrier_id(%barrier3A)
    %lt3A_7 = arith.constant 4 : i32
    %lt3A_8 = arith.cmpi slt, %arg1, %lt3A_7 : i32
    %jit3A = arith.constant 1 : i32
    %jit3A_9 = arith.constant 0 : i32
    %select_n3A = arith.select %lt3A_8, %jit3A, %jit3A_9 : i32
    %add3A = arith.constant 156 : i32
    %add3A_10 = arith.addi %add3A, %select_n3A : i32
    %mul3A_11 = arith.constant 156 : i32
    %mul3A_12 = arith.muli %mul3A_11, %arg1 : i32
    %min3A = arith.constant 4 : i32
    %min3A_13 = arith.minsi %arg1, %min3A : i32
    %add3A_14 = arith.addi %mul3A_12, %min3A_13 : i32
    %while3A = arith.constant 0 : i32
    %while3A_15 = arith.constant 0 : i32
    %while3A_16 = arith.subi %add3A_10, %while3A_15 : i32
    %while3A_17 = arith.addi %while3A_15, %while3A_16 : i32
    %while3A_18 = arith.constant 1 : i32
    %while3A_19 = arith.divsi %while3A_16, %while3A_18 : i32
    %while3A_20 = arith.muli %while3A_19, %while3A_18 : i32
    %while3A_21 = arith.addi %while3A_15, %while3A_20 : i32
    %while3A_22 = arith.constant 1 : i32
    scf.for %while3A_37 = %while3A_15 to %while3A_21 step %while3A_22  : i32 {
      %add3A_38 = arith.addi %add3A_14, %while3A_37 : i32
      %mul3A_39 = arith.constant 128 : i32
      %mul3A_40 = arith.muli %add3A_38, %mul3A_39 : i32
      %mul3A_41 = arith.constant 320000 : i32
      %mul3A_42 = arith.muli %arg0, %mul3A_41 : i32
      %add3A_43 = arith.addi %mul3A_42, %mul3A_40 : i32
      "tpu.region"() ({
        %run_scoped3A = tpu.sem_alloc : memref<!tpu.dma_semaphore, #tpu.memory_space<semaphore_mem>>
        %dma_start3A_48 = tpu.memref_slice %arg3[%add3A_43] : memref<640000xi32, #tpu.memory_space<hbm>> -> memref<128xi32, #tpu.memory_space<hbm>>
        %dma_start3A_49 = tpu.memref_slice %arg3[%add3A_43] : memref<640000xi32, #tpu.memory_space<hbm>> -> memref<128xi32, #tpu.memory_space<hbm>>
        tpu.enqueue_dma source(%dma_start3A_49 : memref<128xi32, #tpu.memory_space<hbm>>) target(%arg6 : memref<128xi32, #tpu.memory_space<vmem>>) target_semaphore(%run_scoped3A : memref<!tpu.dma_semaphore, #tpu.memory_space<semaphore_mem>>)
        %dma_wait3A_50 = tpu.memref_slice %arg3[%add3A_43] : memref<640000xi32, #tpu.memory_space<hbm>> -> memref<128xi32, #tpu.memory_space<hbm>>
        %dma_wait3A_51 = tpu.memref_slice %arg3[%add3A_43] : memref<640000xi32, #tpu.memory_space<hbm>> -> memref<128xi32, #tpu.memory_space<hbm>>
        tpu.wait_dma2 semaphore(%run_scoped3A : memref<!tpu.dma_semaphore, #tpu.memory_space<semaphore_mem>>) src(%dma_wait3A_51 : memref<128xi32, #tpu.memory_space<hbm>>) dst(%arg6 : memref<128xi32, #tpu.memory_space<vmem>>)
        tpu.yield
      }) : () -> ()
      "tpu.region"() ({
        %run_scoped3A = tpu.sem_alloc : memref<!tpu.dma_semaphore, #tpu.memory_space<semaphore_mem>>
        %dma_start3A_48 = tpu.memref_slice %arg4[%mul3A_40] : memref<320000xi32, #tpu.memory_space<hbm>> -> memref<128xi32, #tpu.memory_space<hbm>>
        %dma_start3A_49 = tpu.memref_slice %arg4[%mul3A_40] : memref<320000xi32, #tpu.memory_space<hbm>> -> memref<128xi32, #tpu.memory_space<hbm>>
        tpu.enqueue_dma source(%dma_start3A_49 : memref<128xi32, #tpu.memory_space<hbm>>) target(%arg7 : memref<128xi32, #tpu.memory_space<vmem>>) target_semaphore(%run_scoped3A : memref<!tpu.dma_semaphore, #tpu.memory_space<semaphore_mem>>)
        %dma_wait3A_50 = tpu.memref_slice %arg4[%mul3A_40] : memref<320000xi32, #tpu.memory_space<hbm>> -> memref<128xi32, #tpu.memory_space<hbm>>
        %dma_wait3A_51 = tpu.memref_slice %arg4[%mul3A_40] : memref<320000xi32, #tpu.memory_space<hbm>> -> memref<128xi32, #tpu.memory_space<hbm>>
        tpu.wait_dma2 semaphore(%run_scoped3A : memref<!tpu.dma_semaphore, #tpu.memory_space<semaphore_mem>>) src(%dma_wait3A_51 : memref<128xi32, #tpu.memory_space<hbm>>) dst(%arg7 : memref<128xi32, #tpu.memory_space<vmem>>)
        tpu.yield
      }) : () -> ()
      %dma_start3A = arith.constant 0 : i32
      %dma_start3A_44 = arith.constant 0 : i32
      %dma_start3A_45 = tpu.memref_slice %arg2[%dma_start3A, %dma_start3A_44] : memref<20000x128xf32, #tpu.memory_space<hbm>> -> memref<20000x128xf32, #tpu.memory_space<hbm>>
      tpu.enqueue_indirect_dma source(%dma_start3A_45 : memref<20000x128xf32, #tpu.memory_space<hbm>>) target(%arg8 : memref<128x128xf32, #tpu.memory_space<vmem>>) offsets(%arg6 : memref<128xi32, #tpu.memory_space<vmem>>) semaphore(%arg10 : memref<!tpu.dma_semaphore, #tpu.memory_space<semaphore_mem>>)
      %dma_wait3A = arith.constant 0 : i32
      %dma_wait3A_46 = arith.constant 0 : i32
      %dma_wait3A_47 = tpu.memref_slice %arg2[%dma_wait3A, %dma_wait3A_46] : memref<20000x128xf32, #tpu.memory_space<hbm>> -> memref<20000x128xf32, #tpu.memory_space<hbm>>
      tpu.wait_indirect_dma semaphore(%arg10 : memref<!tpu.dma_semaphore, #tpu.memory_space<semaphore_mem>>) src(%dma_wait3A_47 : memref<20000x128xf32, #tpu.memory_space<hbm>>) dst(%arg8 : memref<128x128xf32, #tpu.memory_space<vmem>>)
      "tpu.region"() ({
        %run_scoped3A = tpu.sem_alloc : memref<!tpu.dma_semaphore, #tpu.memory_space<semaphore_mem>>
        %dma_start3A_48 = arith.constant 0 : i32
        %dma_start3A_49 = arith.constant 0 : i32
        %dma_start3A_50 = tpu.memref_slice %arg9[%dma_start3A_48, %dma_start3A_49] : memref<10000x128xf32, #tpu.memory_space<vmem_shared>> -> memref<10000x128xf32, #tpu.memory_space<vmem_shared>>
        tpu.enqueue_indirect_dma source(%arg8 : memref<128x128xf32, #tpu.memory_space<vmem>>) target(%dma_start3A_50 : memref<10000x128xf32, #tpu.memory_space<vmem_shared>>) offsets(%arg7 : memref<128xi32, #tpu.memory_space<vmem>>) semaphore(%run_scoped3A : memref<!tpu.dma_semaphore, #tpu.memory_space<semaphore_mem>>) {add = true}
        %dma_wait3A_51 = arith.constant 0 : i32
        %dma_wait3A_52 = arith.constant 0 : i32
        %dma_wait3A_53 = tpu.memref_slice %arg9[%dma_wait3A_51, %dma_wait3A_52] : memref<10000x128xf32, #tpu.memory_space<vmem_shared>> -> memref<10000x128xf32, #tpu.memory_space<vmem_shared>>
        tpu.wait_indirect_dma semaphore(%run_scoped3A : memref<!tpu.dma_semaphore, #tpu.memory_space<semaphore_mem>>) src(%arg8 : memref<128x128xf32, #tpu.memory_space<vmem>>) dst(%dma_wait3A_53 : memref<10000x128xf32, #tpu.memory_space<vmem_shared>>)
        tpu.yield
      }) : () -> ()
    }
    %while3A_23 = arith.constant 1 : i32
    scf.for %while3A_37 = %while3A_21 to %while3A_17 step %while3A_23  : i32 {
      %add3A_38 = arith.addi %add3A_14, %while3A_37 : i32
      %mul3A_39 = arith.constant 128 : i32
      %mul3A_40 = arith.muli %add3A_38, %mul3A_39 : i32
      %mul3A_41 = arith.constant 320000 : i32
      %mul3A_42 = arith.muli %arg0, %mul3A_41 : i32
      %add3A_43 = arith.addi %mul3A_42, %mul3A_40 : i32
      "tpu.region"() ({
        %run_scoped3A = tpu.sem_alloc : memref<!tpu.dma_semaphore, #tpu.memory_space<semaphore_mem>>
        %dma_start3A_48 = tpu.memref_slice %arg3[%add3A_43] : memref<640000xi32, #tpu.memory_space<hbm>> -> memref<128xi32, #tpu.memory_space<hbm>>
        %dma_start3A_49 = tpu.memref_slice %arg3[%add3A_43] : memref<640000xi32, #tpu.memory_space<hbm>> -> memref<128xi32, #tpu.memory_space<hbm>>
        tpu.enqueue_dma source(%dma_start3A_49 : memref<128xi32, #tpu.memory_space<hbm>>) target(%arg6 : memref<128xi32, #tpu.memory_space<vmem>>) target_semaphore(%run_scoped3A : memref<!tpu.dma_semaphore, #tpu.memory_space<semaphore_mem>>)
        %dma_wait3A_50 = tpu.memref_slice %arg3[%add3A_43] : memref<640000xi32, #tpu.memory_space<hbm>> -> memref<128xi32, #tpu.memory_space<hbm>>
        %dma_wait3A_51 = tpu.memref_slice %arg3[%add3A_43] : memref<640000xi32, #tpu.memory_space<hbm>> -> memref<128xi32, #tpu.memory_space<hbm>>
        tpu.wait_dma2 semaphore(%run_scoped3A : memref<!tpu.dma_semaphore, #tpu.memory_space<semaphore_mem>>) src(%dma_wait3A_51 : memref<128xi32, #tpu.memory_space<hbm>>) dst(%arg6 : memref<128xi32, #tpu.memory_space<vmem>>)
        tpu.yield
      }) : () -> ()
      "tpu.region"() ({
        %run_scoped3A = tpu.sem_alloc : memref<!tpu.dma_semaphore, #tpu.memory_space<semaphore_mem>>
        %dma_start3A_48 = tpu.memref_slice %arg4[%mul3A_40] : memref<320000xi32, #tpu.memory_space<hbm>> -> memref<128xi32, #tpu.memory_space<hbm>>
        %dma_start3A_49 = tpu.memref_slice %arg4[%mul3A_40] : memref<320000xi32, #tpu.memory_space<hbm>> -> memref<128xi32, #tpu.memory_space<hbm>>
        tpu.enqueue_dma source(%dma_start3A_49 : memref<128xi32, #tpu.memory_space<hbm>>) target(%arg7 : memref<128xi32, #tpu.memory_space<vmem>>) target_semaphore(%run_scoped3A : memref<!tpu.dma_semaphore, #tpu.memory_space<semaphore_mem>>)
        %dma_wait3A_50 = tpu.memref_slice %arg4[%mul3A_40] : memref<320000xi32, #tpu.memory_space<hbm>> -> memref<128xi32, #tpu.memory_space<hbm>>
        %dma_wait3A_51 = tpu.memref_slice %arg4[%mul3A_40] : memref<320000xi32, #tpu.memory_space<hbm>> -> memref<128xi32, #tpu.memory_space<hbm>>
        tpu.wait_dma2 semaphore(%run_scoped3A : memref<!tpu.dma_semaphore, #tpu.memory_space<semaphore_mem>>) src(%dma_wait3A_51 : memref<128xi32, #tpu.memory_space<hbm>>) dst(%arg7 : memref<128xi32, #tpu.memory_space<vmem>>)
        tpu.yield
      }) : () -> ()
      %dma_start3A = arith.constant 0 : i32
      %dma_start3A_44 = arith.constant 0 : i32
      %dma_start3A_45 = tpu.memref_slice %arg2[%dma_start3A, %dma_start3A_44] : memref<20000x128xf32, #tpu.memory_space<hbm>> -> memref<20000x128xf32, #tpu.memory_space<hbm>>
      tpu.enqueue_indirect_dma source(%dma_start3A_45 : memref<20000x128xf32, #tpu.memory_space<hbm>>) target(%arg8 : memref<128x128xf32, #tpu.memory_space<vmem>>) offsets(%arg6 : memref<128xi32, #tpu.memory_space<vmem>>) semaphore(%arg10 : memref<!tpu.dma_semaphore, #tpu.memory_space<semaphore_mem>>)
      %dma_wait3A = arith.constant 0 : i32
      %dma_wait3A_46 = arith.constant 0 : i32
      %dma_wait3A_47 = tpu.memref_slice %arg2[%dma_wait3A, %dma_wait3A_46] : memref<20000x128xf32, #tpu.memory_space<hbm>> -> memref<20000x128xf32, #tpu.memory_space<hbm>>
      tpu.wait_indirect_dma semaphore(%arg10 : memref<!tpu.dma_semaphore, #tpu.memory_space<semaphore_mem>>) src(%dma_wait3A_47 : memref<20000x128xf32, #tpu.memory_space<hbm>>) dst(%arg8 : memref<128x128xf32, #tpu.memory_space<vmem>>)
      "tpu.region"() ({
        %run_scoped3A = tpu.sem_alloc : memref<!tpu.dma_semaphore, #tpu.memory_space<semaphore_mem>>
        %dma_start3A_48 = arith.constant 0 : i32
        %dma_start3A_49 = arith.constant 0 : i32
        %dma_start3A_50 = tpu.memref_slice %arg9[%dma_start3A_48, %dma_start3A_49] : memref<10000x128xf32, #tpu.memory_space<vmem_shared>> -> memref<10000x128xf32, #tpu.memory_space<vmem_shared>>
        tpu.enqueue_indirect_dma source(%arg8 : memref<128x128xf32, #tpu.memory_space<vmem>>) target(%dma_start3A_50 : memref<10000x128xf32, #tpu.memory_space<vmem_shared>>) offsets(%arg7 : memref<128xi32, #tpu.memory_space<vmem>>) semaphore(%run_scoped3A : memref<!tpu.dma_semaphore, #tpu.memory_space<semaphore_mem>>) {add = true}
        %dma_wait3A_51 = arith.constant 0 : i32
        %dma_wait3A_52 = arith.constant 0 : i32
        %dma_wait3A_53 = tpu.memref_slice %arg9[%dma_wait3A_51, %dma_wait3A_52] : memref<10000x128xf32, #tpu.memory_space<vmem_shared>> -> memref<10000x128xf32, #tpu.memory_space<vmem_shared>>
        tpu.wait_indirect_dma semaphore(%run_scoped3A : memref<!tpu.dma_semaphore, #tpu.memory_space<semaphore_mem>>) src(%arg8 : memref<128x128xf32, #tpu.memory_space<vmem>>) dst(%dma_wait3A_53 : memref<10000x128xf32, #tpu.memory_space<vmem_shared>>)
        tpu.yield
      }) : () -> ()
    }
    %barrier3A_24 = arith.constant 0 : index
    tpu.barrier barrier_id(%barrier3A_24)
    %mul3A_25 = arith.constant 632 : i32
    %mul3A_26 = arith.muli %arg1, %mul3A_25 : i32
    %lt3A_27 = arith.constant 15 : i32
    %lt3A_28 = arith.cmpi slt, %arg1, %lt3A_27 : i32
    %convert_element_type3A_29 = arith.extui %lt3A_28 : i1 to i32
    %cond3A_30 = arith.constant 0 : i32
    %cond3A_31 = arith.cmpi ne, %convert_element_type3A_29, %cond3A_30 : i32
    scf.if %cond3A_31 {
      %mul3A_37 = arith.constant 10000 : i32
      %mul3A_38 = arith.muli %arg0, %mul3A_37 : i32
      %add3A_39 = arith.addi %mul3A_38, %mul3A_26 : i32
      "tpu.region"() ({
        %run_scoped3A = tpu.sem_alloc : memref<!tpu.dma_semaphore, #tpu.memory_space<semaphore_mem>>
        %dma_start3A = arith.constant 0 : i32
        %dma_start3A_40 = tpu.memref_slice %arg5[%add3A_39, %dma_start3A] : memref<20000x128xf32, #tpu.memory_space<hbm>> -> memref<632x128xf32, #tpu.memory_space<hbm>>
        %dma_start3A_41 = arith.constant 0 : i32
        %dma_start3A_42 = tpu.memref_slice %arg9[%mul3A_26, %dma_start3A_41] : memref<10000x128xf32, #tpu.memory_space<vmem_shared>> -> memref<632x128xf32, #tpu.memory_space<vmem_shared>>
        tpu.enqueue_dma source(%dma_start3A_42 : memref<632x128xf32, #tpu.memory_space<vmem_shared>>) target(%dma_start3A_40 : memref<632x128xf32, #tpu.memory_space<hbm>>) target_semaphore(%run_scoped3A : memref<!tpu.dma_semaphore, #tpu.memory_space<semaphore_mem>>)
        %dma_wait3A = arith.constant 0 : i32
        %dma_wait3A_43 = tpu.memref_slice %arg5[%add3A_39, %dma_wait3A] : memref<20000x128xf32, #tpu.memory_space<hbm>> -> memref<632x128xf32, #tpu.memory_space<hbm>>
        %dma_wait3A_44 = arith.constant 0 : i32
        %dma_wait3A_45 = tpu.memref_slice %arg9[%mul3A_26, %dma_wait3A_44] : memref<10000x128xf32, #tpu.memory_space<vmem_shared>> -> memref<632x128xf32, #tpu.memory_space<vmem_shared>>
        tpu.wait_dma2 semaphore(%run_scoped3A : memref<!tpu.dma_semaphore, #tpu.memory_space<semaphore_mem>>) src(%dma_wait3A_45 : memref<632x128xf32, #tpu.memory_space<vmem_shared>>) dst(%dma_wait3A_43 : memref<632x128xf32, #tpu.memory_space<hbm>>)
        tpu.yield
      }) : () -> ()
    } else {
    }
    %eq3A_32 = arith.constant 15 : i32
    %eq3A_33 = arith.cmpi eq, %arg1, %eq3A_32 : i32
    %convert_element_type3A_34 = arith.extui %eq3A_33 : i1 to i32
    %cond3A_35 = arith.constant 0 : i32
    %cond3A_36 = arith.cmpi ne, %convert_element_type3A_34, %cond3A_35 : i32
    scf.if %cond3A_36 {
      %mul3A_37 = arith.constant 10000 : i32
      %mul3A_38 = arith.muli %arg0, %mul3A_37 : i32
      %add3A_39 = arith.constant 9480 : i32
      %add3A_40 = arith.addi %mul3A_38, %add3A_39 : i32
      "tpu.region"() ({
        %run_scoped3A = tpu.sem_alloc : memref<!tpu.dma_semaphore, #tpu.memory_space<semaphore_mem>>
        %dma_start3A = arith.constant 0 : i32
        %dma_start3A_41 = tpu.memref_slice %arg5[%add3A_40, %dma_start3A] : memref<20000x128xf32, #tpu.memory_space<hbm>> -> memref<520x128xf32, #tpu.memory_space<hbm>>
        %dma_start3A_42 = arith.constant 9480 : i32
        %dma_start3A_43 = arith.constant 0 : i32
        %dma_start3A_44 = tpu.memref_slice %arg9[%dma_start3A_42, %dma_start3A_43] : memref<10000x128xf32, #tpu.memory_space<vmem_shared>> -> memref<520x128xf32, #tpu.memory_space<vmem_shared>>
        tpu.enqueue_dma source(%dma_start3A_44 : memref<520x128xf32, #tpu.memory_space<vmem_shared>>) target(%dma_start3A_41 : memref<520x128xf32, #tpu.memory_space<hbm>>) target_semaphore(%run_scoped3A : memref<!tpu.dma_semaphore, #tpu.memory_space<semaphore_mem>>)
        %dma_wait3A = arith.constant 0 : i32
        %dma_wait3A_45 = tpu.memref_slice %arg5[%add3A_40, %dma_wait3A] : memref<20000x128xf32, #tpu.memory_space<hbm>> -> memref<520x128xf32, #tpu.memory_space<hbm>>
        %dma_wait3A_46 = arith.constant 9480 : i32
        %dma_wait3A_47 = arith.constant 0 : i32
        %dma_wait3A_48 = tpu.memref_slice %arg9[%dma_wait3A_46, %dma_wait3A_47] : memref<10000x128xf32, #tpu.memory_space<vmem_shared>> -> memref<520x128xf32, #tpu.memory_space<vmem_shared>>
        tpu.wait_dma2 semaphore(%run_scoped3A : memref<!tpu.dma_semaphore, #tpu.memory_space<semaphore_mem>>) src(%dma_wait3A_48 : memref<520x128xf32, #tpu.memory_space<vmem_shared>>) dst(%dma_wait3A_45 : memref<520x128xf32, #tpu.memory_space<hbm>>)
        tpu.yield
      }) : () -> ()
    } else {
    }
    return
  }
}

#map = affine_map<(d0, d1) -> (0, 0)>
#map1 = affine_map<(d0, d1) -> (0)>
module attributes {stable_mosaic.version = 14 : i64} {
  func.func @_sc_agg(%arg0: i32, %arg1: i32, %arg2: memref<20000x128xf32, #tpu.memory_space<hbm>>, %arg3: memref<640000xi32, #tpu.memory_space<hbm>>, %arg4: memref<320000xi32, #tpu.memory_space<hbm>>, %arg5: memref<20000x128xf32, #tpu.memory_space<hbm>>, %arg6: memref<128xi32, #tpu.memory_space<vmem>>, %arg7: memref<128xi32, #tpu.memory_space<vmem>>, %arg8: memref<128x128xf32, #tpu.memory_space<vmem>>, %arg9: memref<10000x128xf32, #tpu.memory_space<vmem_shared>>, %arg10: memref<!tpu.dma_semaphore, #tpu.memory_space<semaphore_mem>>) attributes {dimension_semantics = [#tpu.dimension_semantics<core_parallel>, #tpu.dimension_semantics<subcore_parallel>], iteration_bounds = array<i64: 2, 16>, scalar_prefetch = 0 : i64, scratch_operands = 5 : i64, tpu.core_type = #tpu.core_type<sc_vector_subcore>, window_params = [{transform_indices = #map}, {transform_indices = #map1}, {transform_indices = #map1}, {transform_indices = #map}]} {
    %mul3A = arith.constant 632 : i32
    %mul3A_0 = arith.muli %arg1, %mul3A : i32
    %lt3A = arith.constant 15 : i32
    %lt3A_1 = arith.cmpi slt, %arg1, %lt3A : i32
    %convert_element_type3A = arith.extui %lt3A_1 : i1 to i32
    %cond3A = arith.constant 0 : i32
    %cond3A_2 = arith.cmpi ne, %convert_element_type3A, %cond3A : i32
    scf.if %cond3A_2 {
      %mul3A_37 = arith.constant 10000 : i32
      %mul3A_38 = arith.muli %arg0, %mul3A_37 : i32
      %add3A_39 = arith.addi %mul3A_38, %mul3A_0 : i32
      "tpu.region"() ({
        %run_scoped3A = tpu.sem_alloc : memref<!tpu.dma_semaphore, #tpu.memory_space<semaphore_mem>>
        %dma_start3A = arith.constant 0 : i32
        %dma_start3A_40 = tpu.memref_slice %arg9[%mul3A_0, %dma_start3A] : memref<10000x128xf32, #tpu.memory_space<vmem_shared>> -> memref<632x128xf32, #tpu.memory_space<vmem_shared>>
        %dma_start3A_41 = arith.constant 0 : i32
        %dma_start3A_42 = tpu.memref_slice %arg2[%add3A_39, %dma_start3A_41] : memref<20000x128xf32, #tpu.memory_space<hbm>> -> memref<632x128xf32, #tpu.memory_space<hbm>>
        tpu.enqueue_dma source(%dma_start3A_42 : memref<632x128xf32, #tpu.memory_space<hbm>>) target(%dma_start3A_40 : memref<632x128xf32, #tpu.memory_space<vmem_shared>>) target_semaphore(%run_scoped3A : memref<!tpu.dma_semaphore, #tpu.memory_space<semaphore_mem>>)
        %dma_wait3A = arith.constant 0 : i32
        %dma_wait3A_43 = tpu.memref_slice %arg9[%mul3A_0, %dma_wait3A] : memref<10000x128xf32, #tpu.memory_space<vmem_shared>> -> memref<632x128xf32, #tpu.memory_space<vmem_shared>>
        %dma_wait3A_44 = arith.constant 0 : i32
        %dma_wait3A_45 = tpu.memref_slice %arg2[%add3A_39, %dma_wait3A_44] : memref<20000x128xf32, #tpu.memory_space<hbm>> -> memref<632x128xf32, #tpu.memory_space<hbm>>
        tpu.wait_dma2 semaphore(%run_scoped3A : memref<!tpu.dma_semaphore, #tpu.memory_space<semaphore_mem>>) src(%dma_wait3A_45 : memref<632x128xf32, #tpu.memory_space<hbm>>) dst(%dma_wait3A_43 : memref<632x128xf32, #tpu.memory_space<vmem_shared>>)
        tpu.yield
      }) : () -> ()
    } else {
    }
    %eq3A = arith.constant 15 : i32
    %eq3A_3 = arith.cmpi eq, %arg1, %eq3A : i32
    %convert_element_type3A_4 = arith.extui %eq3A_3 : i1 to i32
    %cond3A_5 = arith.constant 0 : i32
    %cond3A_6 = arith.cmpi ne, %convert_element_type3A_4, %cond3A_5 : i32
    scf.if %cond3A_6 {
      %mul3A_37 = arith.constant 10000 : i32
      %mul3A_38 = arith.muli %arg0, %mul3A_37 : i32
      %add3A_39 = arith.constant 9480 : i32
      %add3A_40 = arith.addi %mul3A_38, %add3A_39 : i32
      "tpu.region"() ({
        %run_scoped3A = tpu.sem_alloc : memref<!tpu.dma_semaphore, #tpu.memory_space<semaphore_mem>>
        %dma_start3A = arith.constant 9480 : i32
        %dma_start3A_41 = arith.constant 0 : i32
        %dma_start3A_42 = tpu.memref_slice %arg9[%dma_start3A, %dma_start3A_41] : memref<10000x128xf32, #tpu.memory_space<vmem_shared>> -> memref<520x128xf32, #tpu.memory_space<vmem_shared>>
        %dma_start3A_43 = arith.constant 0 : i32
        %dma_start3A_44 = tpu.memref_slice %arg2[%add3A_40, %dma_start3A_43] : memref<20000x128xf32, #tpu.memory_space<hbm>> -> memref<520x128xf32, #tpu.memory_space<hbm>>
        tpu.enqueue_dma source(%dma_start3A_44 : memref<520x128xf32, #tpu.memory_space<hbm>>) target(%dma_start3A_42 : memref<520x128xf32, #tpu.memory_space<vmem_shared>>) target_semaphore(%run_scoped3A : memref<!tpu.dma_semaphore, #tpu.memory_space<semaphore_mem>>)
        %dma_wait3A = arith.constant 9480 : i32
        %dma_wait3A_45 = arith.constant 0 : i32
        %dma_wait3A_46 = tpu.memref_slice %arg9[%dma_wait3A, %dma_wait3A_45] : memref<10000x128xf32, #tpu.memory_space<vmem_shared>> -> memref<520x128xf32, #tpu.memory_space<vmem_shared>>
        %dma_wait3A_47 = arith.constant 0 : i32
        %dma_wait3A_48 = tpu.memref_slice %arg2[%add3A_40, %dma_wait3A_47] : memref<20000x128xf32, #tpu.memory_space<hbm>> -> memref<520x128xf32, #tpu.memory_space<hbm>>
        tpu.wait_dma2 semaphore(%run_scoped3A : memref<!tpu.dma_semaphore, #tpu.memory_space<semaphore_mem>>) src(%dma_wait3A_48 : memref<520x128xf32, #tpu.memory_space<hbm>>) dst(%dma_wait3A_46 : memref<520x128xf32, #tpu.memory_space<vmem_shared>>)
        tpu.yield
      }) : () -> ()
    } else {
    }
    %barrier3A = arith.constant 0 : index
    tpu.barrier barrier_id(%barrier3A)
    %lt3A_7 = arith.constant 4 : i32
    %lt3A_8 = arith.cmpi slt, %arg1, %lt3A_7 : i32
    %jit3A = arith.constant 1 : i32
    %jit3A_9 = arith.constant 0 : i32
    %select_n3A = arith.select %lt3A_8, %jit3A, %jit3A_9 : i32
    %add3A = arith.constant 156 : i32
    %add3A_10 = arith.addi %add3A, %select_n3A : i32
    %mul3A_11 = arith.constant 156 : i32
    %mul3A_12 = arith.muli %mul3A_11, %arg1 : i32
    %min3A = arith.constant 4 : i32
    %min3A_13 = arith.minsi %arg1, %min3A : i32
    %add3A_14 = arith.addi %mul3A_12, %min3A_13 : i32
    %while3A = arith.constant 0 : i32
    %while3A_15 = arith.constant 0 : i32
    %while3A_16 = arith.subi %add3A_10, %while3A_15 : i32
    %while3A_17 = arith.addi %while3A_15, %while3A_16 : i32
    %while3A_18 = arith.constant 1 : i32
    %while3A_19 = arith.divsi %while3A_16, %while3A_18 : i32
    %while3A_20 = arith.muli %while3A_19, %while3A_18 : i32
    %while3A_21 = arith.addi %while3A_15, %while3A_20 : i32
    %while3A_22 = arith.constant 1 : i32
    scf.for %while3A_37 = %while3A_15 to %while3A_21 step %while3A_22  : i32 {
      %add3A_38 = arith.addi %add3A_14, %while3A_37 : i32
      %mul3A_39 = arith.constant 128 : i32
      %mul3A_40 = arith.muli %add3A_38, %mul3A_39 : i32
      %mul3A_41 = arith.constant 320000 : i32
      %mul3A_42 = arith.muli %arg0, %mul3A_41 : i32
      %add3A_43 = arith.addi %mul3A_42, %mul3A_40 : i32
      "tpu.region"() ({
        %run_scoped3A = tpu.sem_alloc : memref<!tpu.dma_semaphore, #tpu.memory_space<semaphore_mem>>
        %dma_start3A_48 = tpu.memref_slice %arg3[%add3A_43] : memref<640000xi32, #tpu.memory_space<hbm>> -> memref<128xi32, #tpu.memory_space<hbm>>
        %dma_start3A_49 = tpu.memref_slice %arg3[%add3A_43] : memref<640000xi32, #tpu.memory_space<hbm>> -> memref<128xi32, #tpu.memory_space<hbm>>
        tpu.enqueue_dma source(%dma_start3A_49 : memref<128xi32, #tpu.memory_space<hbm>>) target(%arg6 : memref<128xi32, #tpu.memory_space<vmem>>) target_semaphore(%run_scoped3A : memref<!tpu.dma_semaphore, #tpu.memory_space<semaphore_mem>>)
        %dma_wait3A_50 = tpu.memref_slice %arg3[%add3A_43] : memref<640000xi32, #tpu.memory_space<hbm>> -> memref<128xi32, #tpu.memory_space<hbm>>
        %dma_wait3A_51 = tpu.memref_slice %arg3[%add3A_43] : memref<640000xi32, #tpu.memory_space<hbm>> -> memref<128xi32, #tpu.memory_space<hbm>>
        tpu.wait_dma2 semaphore(%run_scoped3A : memref<!tpu.dma_semaphore, #tpu.memory_space<semaphore_mem>>) src(%dma_wait3A_51 : memref<128xi32, #tpu.memory_space<hbm>>) dst(%arg6 : memref<128xi32, #tpu.memory_space<vmem>>)
        tpu.yield
      }) : () -> ()
      "tpu.region"() ({
        %run_scoped3A = tpu.sem_alloc : memref<!tpu.dma_semaphore, #tpu.memory_space<semaphore_mem>>
        %dma_start3A_48 = tpu.memref_slice %arg4[%mul3A_40] : memref<320000xi32, #tpu.memory_space<hbm>> -> memref<128xi32, #tpu.memory_space<hbm>>
        %dma_start3A_49 = tpu.memref_slice %arg4[%mul3A_40] : memref<320000xi32, #tpu.memory_space<hbm>> -> memref<128xi32, #tpu.memory_space<hbm>>
        tpu.enqueue_dma source(%dma_start3A_49 : memref<128xi32, #tpu.memory_space<hbm>>) target(%arg7 : memref<128xi32, #tpu.memory_space<vmem>>) target_semaphore(%run_scoped3A : memref<!tpu.dma_semaphore, #tpu.memory_space<semaphore_mem>>)
        %dma_wait3A_50 = tpu.memref_slice %arg4[%mul3A_40] : memref<320000xi32, #tpu.memory_space<hbm>> -> memref<128xi32, #tpu.memory_space<hbm>>
        %dma_wait3A_51 = tpu.memref_slice %arg4[%mul3A_40] : memref<320000xi32, #tpu.memory_space<hbm>> -> memref<128xi32, #tpu.memory_space<hbm>>
        tpu.wait_dma2 semaphore(%run_scoped3A : memref<!tpu.dma_semaphore, #tpu.memory_space<semaphore_mem>>) src(%dma_wait3A_51 : memref<128xi32, #tpu.memory_space<hbm>>) dst(%arg7 : memref<128xi32, #tpu.memory_space<vmem>>)
        tpu.yield
      }) : () -> ()
      %dma_start3A = arith.constant 0 : i32
      %dma_start3A_44 = arith.constant 0 : i32
      %dma_start3A_45 = tpu.memref_slice %arg2[%dma_start3A, %dma_start3A_44] : memref<20000x128xf32, #tpu.memory_space<hbm>> -> memref<20000x128xf32, #tpu.memory_space<hbm>>
      tpu.enqueue_indirect_dma source(%dma_start3A_45 : memref<20000x128xf32, #tpu.memory_space<hbm>>) target(%arg8 : memref<128x128xf32, #tpu.memory_space<vmem>>) offsets(%arg6 : memref<128xi32, #tpu.memory_space<vmem>>) semaphore(%arg10 : memref<!tpu.dma_semaphore, #tpu.memory_space<semaphore_mem>>)
      %dma_wait3A = arith.constant 0 : i32
      %dma_wait3A_46 = arith.constant 0 : i32
      %dma_wait3A_47 = tpu.memref_slice %arg2[%dma_wait3A, %dma_wait3A_46] : memref<20000x128xf32, #tpu.memory_space<hbm>> -> memref<20000x128xf32, #tpu.memory_space<hbm>>
      tpu.wait_indirect_dma semaphore(%arg10 : memref<!tpu.dma_semaphore, #tpu.memory_space<semaphore_mem>>) src(%dma_wait3A_47 : memref<20000x128xf32, #tpu.memory_space<hbm>>) dst(%arg8 : memref<128x128xf32, #tpu.memory_space<vmem>>)
      "tpu.region"() ({
        %run_scoped3A = tpu.sem_alloc : memref<!tpu.dma_semaphore, #tpu.memory_space<semaphore_mem>>
        %dma_start3A_48 = arith.constant 0 : i32
        %dma_start3A_49 = arith.constant 0 : i32
        %dma_start3A_50 = tpu.memref_slice %arg9[%dma_start3A_48, %dma_start3A_49] : memref<10000x128xf32, #tpu.memory_space<vmem_shared>> -> memref<10000x128xf32, #tpu.memory_space<vmem_shared>>
        tpu.enqueue_indirect_dma source(%arg8 : memref<128x128xf32, #tpu.memory_space<vmem>>) target(%dma_start3A_50 : memref<10000x128xf32, #tpu.memory_space<vmem_shared>>) offsets(%arg7 : memref<128xi32, #tpu.memory_space<vmem>>) semaphore(%run_scoped3A : memref<!tpu.dma_semaphore, #tpu.memory_space<semaphore_mem>>) {add = true}
        %dma_wait3A_51 = arith.constant 0 : i32
        %dma_wait3A_52 = arith.constant 0 : i32
        %dma_wait3A_53 = tpu.memref_slice %arg9[%dma_wait3A_51, %dma_wait3A_52] : memref<10000x128xf32, #tpu.memory_space<vmem_shared>> -> memref<10000x128xf32, #tpu.memory_space<vmem_shared>>
        tpu.wait_indirect_dma semaphore(%run_scoped3A : memref<!tpu.dma_semaphore, #tpu.memory_space<semaphore_mem>>) src(%arg8 : memref<128x128xf32, #tpu.memory_space<vmem>>) dst(%dma_wait3A_53 : memref<10000x128xf32, #tpu.memory_space<vmem_shared>>)
        tpu.yield
      }) : () -> ()
    }
    %while3A_23 = arith.constant 1 : i32
    scf.for %while3A_37 = %while3A_21 to %while3A_17 step %while3A_23  : i32 {
      %add3A_38 = arith.addi %add3A_14, %while3A_37 : i32
      %mul3A_39 = arith.constant 128 : i32
      %mul3A_40 = arith.muli %add3A_38, %mul3A_39 : i32
      %mul3A_41 = arith.constant 320000 : i32
      %mul3A_42 = arith.muli %arg0, %mul3A_41 : i32
      %add3A_43 = arith.addi %mul3A_42, %mul3A_40 : i32
      "tpu.region"() ({
        %run_scoped3A = tpu.sem_alloc : memref<!tpu.dma_semaphore, #tpu.memory_space<semaphore_mem>>
        %dma_start3A_48 = tpu.memref_slice %arg3[%add3A_43] : memref<640000xi32, #tpu.memory_space<hbm>> -> memref<128xi32, #tpu.memory_space<hbm>>
        %dma_start3A_49 = tpu.memref_slice %arg3[%add3A_43] : memref<640000xi32, #tpu.memory_space<hbm>> -> memref<128xi32, #tpu.memory_space<hbm>>
        tpu.enqueue_dma source(%dma_start3A_49 : memref<128xi32, #tpu.memory_space<hbm>>) target(%arg6 : memref<128xi32, #tpu.memory_space<vmem>>) target_semaphore(%run_scoped3A : memref<!tpu.dma_semaphore, #tpu.memory_space<semaphore_mem>>)
        %dma_wait3A_50 = tpu.memref_slice %arg3[%add3A_43] : memref<640000xi32, #tpu.memory_space<hbm>> -> memref<128xi32, #tpu.memory_space<hbm>>
        %dma_wait3A_51 = tpu.memref_slice %arg3[%add3A_43] : memref<640000xi32, #tpu.memory_space<hbm>> -> memref<128xi32, #tpu.memory_space<hbm>>
        tpu.wait_dma2 semaphore(%run_scoped3A : memref<!tpu.dma_semaphore, #tpu.memory_space<semaphore_mem>>) src(%dma_wait3A_51 : memref<128xi32, #tpu.memory_space<hbm>>) dst(%arg6 : memref<128xi32, #tpu.memory_space<vmem>>)
        tpu.yield
      }) : () -> ()
      "tpu.region"() ({
        %run_scoped3A = tpu.sem_alloc : memref<!tpu.dma_semaphore, #tpu.memory_space<semaphore_mem>>
        %dma_start3A_48 = tpu.memref_slice %arg4[%mul3A_40] : memref<320000xi32, #tpu.memory_space<hbm>> -> memref<128xi32, #tpu.memory_space<hbm>>
        %dma_start3A_49 = tpu.memref_slice %arg4[%mul3A_40] : memref<320000xi32, #tpu.memory_space<hbm>> -> memref<128xi32, #tpu.memory_space<hbm>>
        tpu.enqueue_dma source(%dma_start3A_49 : memref<128xi32, #tpu.memory_space<hbm>>) target(%arg7 : memref<128xi32, #tpu.memory_space<vmem>>) target_semaphore(%run_scoped3A : memref<!tpu.dma_semaphore, #tpu.memory_space<semaphore_mem>>)
        %dma_wait3A_50 = tpu.memref_slice %arg4[%mul3A_40] : memref<320000xi32, #tpu.memory_space<hbm>> -> memref<128xi32, #tpu.memory_space<hbm>>
        %dma_wait3A_51 = tpu.memref_slice %arg4[%mul3A_40] : memref<320000xi32, #tpu.memory_space<hbm>> -> memref<128xi32, #tpu.memory_space<hbm>>
        tpu.wait_dma2 semaphore(%run_scoped3A : memref<!tpu.dma_semaphore, #tpu.memory_space<semaphore_mem>>) src(%dma_wait3A_51 : memref<128xi32, #tpu.memory_space<hbm>>) dst(%arg7 : memref<128xi32, #tpu.memory_space<vmem>>)
        tpu.yield
      }) : () -> ()
      %dma_start3A = arith.constant 0 : i32
      %dma_start3A_44 = arith.constant 0 : i32
      %dma_start3A_45 = tpu.memref_slice %arg2[%dma_start3A, %dma_start3A_44] : memref<20000x128xf32, #tpu.memory_space<hbm>> -> memref<20000x128xf32, #tpu.memory_space<hbm>>
      tpu.enqueue_indirect_dma source(%dma_start3A_45 : memref<20000x128xf32, #tpu.memory_space<hbm>>) target(%arg8 : memref<128x128xf32, #tpu.memory_space<vmem>>) offsets(%arg6 : memref<128xi32, #tpu.memory_space<vmem>>) semaphore(%arg10 : memref<!tpu.dma_semaphore, #tpu.memory_space<semaphore_mem>>)
      %dma_wait3A = arith.constant 0 : i32
      %dma_wait3A_46 = arith.constant 0 : i32
      %dma_wait3A_47 = tpu.memref_slice %arg2[%dma_wait3A, %dma_wait3A_46] : memref<20000x128xf32, #tpu.memory_space<hbm>> -> memref<20000x128xf32, #tpu.memory_space<hbm>>
      tpu.wait_indirect_dma semaphore(%arg10 : memref<!tpu.dma_semaphore, #tpu.memory_space<semaphore_mem>>) src(%dma_wait3A_47 : memref<20000x128xf32, #tpu.memory_space<hbm>>) dst(%arg8 : memref<128x128xf32, #tpu.memory_space<vmem>>)
      "tpu.region"() ({
        %run_scoped3A = tpu.sem_alloc : memref<!tpu.dma_semaphore, #tpu.memory_space<semaphore_mem>>
        %dma_start3A_48 = arith.constant 0 : i32
        %dma_start3A_49 = arith.constant 0 : i32
        %dma_start3A_50 = tpu.memref_slice %arg9[%dma_start3A_48, %dma_start3A_49] : memref<10000x128xf32, #tpu.memory_space<vmem_shared>> -> memref<10000x128xf32, #tpu.memory_space<vmem_shared>>
        tpu.enqueue_indirect_dma source(%arg8 : memref<128x128xf32, #tpu.memory_space<vmem>>) target(%dma_start3A_50 : memref<10000x128xf32, #tpu.memory_space<vmem_shared>>) offsets(%arg7 : memref<128xi32, #tpu.memory_space<vmem>>) semaphore(%run_scoped3A : memref<!tpu.dma_semaphore, #tpu.memory_space<semaphore_mem>>) {add = true}
        %dma_wait3A_51 = arith.constant 0 : i32
        %dma_wait3A_52 = arith.constant 0 : i32
        %dma_wait3A_53 = tpu.memref_slice %arg9[%dma_wait3A_51, %dma_wait3A_52] : memref<10000x128xf32, #tpu.memory_space<vmem_shared>> -> memref<10000x128xf32, #tpu.memory_space<vmem_shared>>
        tpu.wait_indirect_dma semaphore(%run_scoped3A : memref<!tpu.dma_semaphore, #tpu.memory_space<semaphore_mem>>) src(%arg8 : memref<128x128xf32, #tpu.memory_space<vmem>>) dst(%dma_wait3A_53 : memref<10000x128xf32, #tpu.memory_space<vmem_shared>>)
        tpu.yield
      }) : () -> ()
    }
    %barrier3A_24 = arith.constant 0 : index
    tpu.barrier barrier_id(%barrier3A_24)
    %mul3A_25 = arith.constant 632 : i32
    %mul3A_26 = arith.muli %arg1, %mul3A_25 : i32
    %lt3A_27 = arith.constant 15 : i32
    %lt3A_28 = arith.cmpi slt, %arg1, %lt3A_27 : i32
    %convert_element_type3A_29 = arith.extui %lt3A_28 : i1 to i32
    %cond3A_30 = arith.constant 0 : i32
    %cond3A_31 = arith.cmpi ne, %convert_element_type3A_29, %cond3A_30 : i32
    scf.if %cond3A_31 {
      %mul3A_37 = arith.constant 10000 : i32
      %mul3A_38 = arith.muli %arg0, %mul3A_37 : i32
      %add3A_39 = arith.addi %mul3A_38, %mul3A_26 : i32
      "tpu.region"() ({
        %run_scoped3A = tpu.sem_alloc : memref<!tpu.dma_semaphore, #tpu.memory_space<semaphore_mem>>
        %dma_start3A = arith.constant 0 : i32
        %dma_start3A_40 = tpu.memref_slice %arg5[%add3A_39, %dma_start3A] : memref<20000x128xf32, #tpu.memory_space<hbm>> -> memref<632x128xf32, #tpu.memory_space<hbm>>
        %dma_start3A_41 = arith.constant 0 : i32
        %dma_start3A_42 = tpu.memref_slice %arg9[%mul3A_26, %dma_start3A_41] : memref<10000x128xf32, #tpu.memory_space<vmem_shared>> -> memref<632x128xf32, #tpu.memory_space<vmem_shared>>
        tpu.enqueue_dma source(%dma_start3A_42 : memref<632x128xf32, #tpu.memory_space<vmem_shared>>) target(%dma_start3A_40 : memref<632x128xf32, #tpu.memory_space<hbm>>) target_semaphore(%run_scoped3A : memref<!tpu.dma_semaphore, #tpu.memory_space<semaphore_mem>>)
        %dma_wait3A = arith.constant 0 : i32
        %dma_wait3A_43 = tpu.memref_slice %arg5[%add3A_39, %dma_wait3A] : memref<20000x128xf32, #tpu.memory_space<hbm>> -> memref<632x128xf32, #tpu.memory_space<hbm>>
        %dma_wait3A_44 = arith.constant 0 : i32
        %dma_wait3A_45 = tpu.memref_slice %arg9[%mul3A_26, %dma_wait3A_44] : memref<10000x128xf32, #tpu.memory_space<vmem_shared>> -> memref<632x128xf32, #tpu.memory_space<vmem_shared>>
        tpu.wait_dma2 semaphore(%run_scoped3A : memref<!tpu.dma_semaphore, #tpu.memory_space<semaphore_mem>>) src(%dma_wait3A_45 : memref<632x128xf32, #tpu.memory_space<vmem_shared>>) dst(%dma_wait3A_43 : memref<632x128xf32, #tpu.memory_space<hbm>>)
        tpu.yield
      }) : () -> ()
    } else {
    }
    %eq3A_32 = arith.constant 15 : i32
    %eq3A_33 = arith.cmpi eq, %arg1, %eq3A_32 : i32
    %convert_element_type3A_34 = arith.extui %eq3A_33 : i1 to i32
    %cond3A_35 = arith.constant 0 : i32
    %cond3A_36 = arith.cmpi ne, %convert_element_type3A_34, %cond3A_35 : i32
    scf.if %cond3A_36 {
      %mul3A_37 = arith.constant 10000 : i32
      %mul3A_38 = arith.muli %arg0, %mul3A_37 : i32
      %add3A_39 = arith.constant 9480 : i32
      %add3A_40 = arith.addi %mul3A_38, %add3A_39 : i32
      "tpu.region"() ({
        %run_scoped3A = tpu.sem_alloc : memref<!tpu.dma_semaphore, #tpu.memory_space<semaphore_mem>>
        %dma_start3A = arith.constant 0 : i32
        %dma_start3A_41 = tpu.memref_slice %arg5[%add3A_40, %dma_start3A] : memref<20000x128xf32, #tpu.memory_space<hbm>> -> memref<520x128xf32, #tpu.memory_space<hbm>>
        %dma_start3A_42 = arith.constant 9480 : i32
        %dma_start3A_43 = arith.constant 0 : i32
        %dma_start3A_44 = tpu.memref_slice %arg9[%dma_start3A_42, %dma_start3A_43] : memref<10000x128xf32, #tpu.memory_space<vmem_shared>> -> memref<520x128xf32, #tpu.memory_space<vmem_shared>>
        tpu.enqueue_dma source(%dma_start3A_44 : memref<520x128xf32, #tpu.memory_space<vmem_shared>>) target(%dma_start3A_41 : memref<520x128xf32, #tpu.memory_space<hbm>>) target_semaphore(%run_scoped3A : memref<!tpu.dma_semaphore, #tpu.memory_space<semaphore_mem>>)
        %dma_wait3A = arith.constant 0 : i32
        %dma_wait3A_45 = tpu.memref_slice %arg5[%add3A_40, %dma_wait3A] : memref<20000x128xf32, #tpu.memory_space<hbm>> -> memref<520x128xf32, #tpu.memory_space<hbm>>
        %dma_wait3A_46 = arith.constant 9480 : i32
        %dma_wait3A_47 = arith.constant 0 : i32
        %dma_wait3A_48 = tpu.memref_slice %arg9[%dma_wait3A_46, %dma_wait3A_47] : memref<10000x128xf32, #tpu.memory_space<vmem_shared>> -> memref<520x128xf32, #tpu.memory_space<vmem_shared>>
        tpu.wait_dma2 semaphore(%run_scoped3A : memref<!tpu.dma_semaphore, #tpu.memory_space<semaphore_mem>>) src(%dma_wait3A_48 : memref<520x128xf32, #tpu.memory_space<vmem_shared>>) dst(%dma_wait3A_45 : memref<520x128xf32, #tpu.memory_space<hbm>>)
        tpu.yield
      }) : () -> ()
    } else {
    }
    return
  }
}

#map = affine_map<(d0, d1) -> (0)>
#map1 = affine_map<(d0, d1) -> (0, 0)>
#map2 = affine_map<(d0, d1) -> (0, 0, 0)>
module attributes {stable_mosaic.version = 14 : i64} {
  func.func @_sc_deg(%arg0: i32, %arg1: i32, %arg2: memref<320000xi32, #tpu.memory_space<hbm>>, %arg3: memref<10128x8xf32, #tpu.memory_space<hbm>>, %arg4: memref<2x10000x8xf32, #tpu.memory_space<hbm>>, %arg5: memref<128xi32, #tpu.memory_space<vmem>>, %arg6: memref<128x8xf32, #tpu.memory_space<vmem>>, %arg7: memref<10000x8xf32, #tpu.memory_space<vmem_shared>>) attributes {dimension_semantics = [#tpu.dimension_semantics<core_parallel>, #tpu.dimension_semantics<subcore_parallel>], iteration_bounds = array<i64: 2, 16>, scalar_prefetch = 0 : i64, scratch_operands = 3 : i64, tpu.core_type = #tpu.core_type<sc_vector_subcore>, window_params = [{transform_indices = #map}, {transform_indices = #map1}, {transform_indices = #map2}]} {
    "tpu.region"() ({
      %run_scoped3A = tpu.sem_alloc : memref<!tpu.dma_semaphore, #tpu.memory_space<semaphore_mem>>
      %dma_start3A = arith.constant 10000 : i32
      %dma_start3A_37 = arith.constant 0 : i32
      %dma_start3A_38 = tpu.memref_slice %arg3[%dma_start3A, %dma_start3A_37] : memref<10128x8xf32, #tpu.memory_space<hbm>> -> memref<128x8xf32, #tpu.memory_space<hbm>>
      %dma_start3A_39 = arith.constant 10000 : i32
      %dma_start3A_40 = arith.constant 0 : i32
      %dma_start3A_41 = tpu.memref_slice %arg3[%dma_start3A_39, %dma_start3A_40] : memref<10128x8xf32, #tpu.memory_space<hbm>> -> memref<128x8xf32, #tpu.memory_space<hbm>>
      tpu.enqueue_dma source(%dma_start3A_41 : memref<128x8xf32, #tpu.memory_space<hbm>>) target(%arg6 : memref<128x8xf32, #tpu.memory_space<vmem>>) target_semaphore(%run_scoped3A : memref<!tpu.dma_semaphore, #tpu.memory_space<semaphore_mem>>)
      %dma_wait3A = arith.constant 10000 : i32
      %dma_wait3A_42 = arith.constant 0 : i32
      %dma_wait3A_43 = tpu.memref_slice %arg3[%dma_wait3A, %dma_wait3A_42] : memref<10128x8xf32, #tpu.memory_space<hbm>> -> memref<128x8xf32, #tpu.memory_space<hbm>>
      %dma_wait3A_44 = arith.constant 10000 : i32
      %dma_wait3A_45 = arith.constant 0 : i32
      %dma_wait3A_46 = tpu.memref_slice %arg3[%dma_wait3A_44, %dma_wait3A_45] : memref<10128x8xf32, #tpu.memory_space<hbm>> -> memref<128x8xf32, #tpu.memory_space<hbm>>
      tpu.wait_dma2 semaphore(%run_scoped3A : memref<!tpu.dma_semaphore, #tpu.memory_space<semaphore_mem>>) src(%dma_wait3A_46 : memref<128x8xf32, #tpu.memory_space<hbm>>) dst(%arg6 : memref<128x8xf32, #tpu.memory_space<vmem>>)
      tpu.yield
    }) : () -> ()
    %mul3A = arith.constant 632 : i32
    %mul3A_0 = arith.muli %arg1, %mul3A : i32
    %lt3A = arith.constant 15 : i32
    %lt3A_1 = arith.cmpi slt, %arg1, %lt3A : i32
    %convert_element_type3A = arith.extui %lt3A_1 : i1 to i32
    %cond3A = arith.constant 0 : i32
    %cond3A_2 = arith.cmpi ne, %convert_element_type3A, %cond3A : i32
    scf.if %cond3A_2 {
      "tpu.region"() ({
        %run_scoped3A = tpu.sem_alloc : memref<!tpu.dma_semaphore, #tpu.memory_space<semaphore_mem>>
        %dma_start3A = arith.constant 0 : i32
        %dma_start3A_37 = tpu.memref_slice %arg7[%mul3A_0, %dma_start3A] : memref<10000x8xf32, #tpu.memory_space<vmem_shared>> -> memref<632x8xf32, #tpu.memory_space<vmem_shared>>
        %dma_start3A_38 = arith.constant 0 : i32
        %dma_start3A_39 = tpu.memref_slice %arg3[%mul3A_0, %dma_start3A_38] : memref<10128x8xf32, #tpu.memory_space<hbm>> -> memref<632x8xf32, #tpu.memory_space<hbm>>
        tpu.enqueue_dma source(%dma_start3A_39 : memref<632x8xf32, #tpu.memory_space<hbm>>) target(%dma_start3A_37 : memref<632x8xf32, #tpu.memory_space<vmem_shared>>) target_semaphore(%run_scoped3A : memref<!tpu.dma_semaphore, #tpu.memory_space<semaphore_mem>>)
        %dma_wait3A = arith.constant 0 : i32
        %dma_wait3A_40 = tpu.memref_slice %arg7[%mul3A_0, %dma_wait3A] : memref<10000x8xf32, #tpu.memory_space<vmem_shared>> -> memref<632x8xf32, #tpu.memory_space<vmem_shared>>
        %dma_wait3A_41 = arith.constant 0 : i32
        %dma_wait3A_42 = tpu.memref_slice %arg3[%mul3A_0, %dma_wait3A_41] : memref<10128x8xf32, #tpu.memory_space<hbm>> -> memref<632x8xf32, #tpu.memory_space<hbm>>
        tpu.wait_dma2 semaphore(%run_scoped3A : memref<!tpu.dma_semaphore, #tpu.memory_space<semaphore_mem>>) src(%dma_wait3A_42 : memref<632x8xf32, #tpu.memory_space<hbm>>) dst(%dma_wait3A_40 : memref<632x8xf32, #tpu.memory_space<vmem_shared>>)
        tpu.yield
      }) : () -> ()
    } else {
    }
    %eq3A = arith.constant 15 : i32
    %eq3A_3 = arith.cmpi eq, %arg1, %eq3A : i32
    %convert_element_type3A_4 = arith.extui %eq3A_3 : i1 to i32
    %cond3A_5 = arith.constant 0 : i32
    %cond3A_6 = arith.cmpi ne, %convert_element_type3A_4, %cond3A_5 : i32
    scf.if %cond3A_6 {
      "tpu.region"() ({
        %run_scoped3A = tpu.sem_alloc : memref<!tpu.dma_semaphore, #tpu.memory_space<semaphore_mem>>
        %dma_start3A = arith.constant 9480 : i32
        %dma_start3A_37 = arith.constant 0 : i32
        %dma_start3A_38 = tpu.memref_slice %arg7[%dma_start3A, %dma_start3A_37] : memref<10000x8xf32, #tpu.memory_space<vmem_shared>> -> memref<520x8xf32, #tpu.memory_space<vmem_shared>>
        %dma_start3A_39 = arith.constant 9480 : i32
        %dma_start3A_40 = arith.constant 0 : i32
        %dma_start3A_41 = tpu.memref_slice %arg3[%dma_start3A_39, %dma_start3A_40] : memref<10128x8xf32, #tpu.memory_space<hbm>> -> memref<520x8xf32, #tpu.memory_space<hbm>>
        tpu.enqueue_dma source(%dma_start3A_41 : memref<520x8xf32, #tpu.memory_space<hbm>>) target(%dma_start3A_38 : memref<520x8xf32, #tpu.memory_space<vmem_shared>>) target_semaphore(%run_scoped3A : memref<!tpu.dma_semaphore, #tpu.memory_space<semaphore_mem>>)
        %dma_wait3A = arith.constant 9480 : i32
        %dma_wait3A_42 = arith.constant 0 : i32
        %dma_wait3A_43 = tpu.memref_slice %arg7[%dma_wait3A, %dma_wait3A_42] : memref<10000x8xf32, #tpu.memory_space<vmem_shared>> -> memref<520x8xf32, #tpu.memory_space<vmem_shared>>
        %dma_wait3A_44 = arith.constant 9480 : i32
        %dma_wait3A_45 = arith.constant 0 : i32
        %dma_wait3A_46 = tpu.memref_slice %arg3[%dma_wait3A_44, %dma_wait3A_45] : memref<10128x8xf32, #tpu.memory_space<hbm>> -> memref<520x8xf32, #tpu.memory_space<hbm>>
        tpu.wait_dma2 semaphore(%run_scoped3A : memref<!tpu.dma_semaphore, #tpu.memory_space<semaphore_mem>>) src(%dma_wait3A_46 : memref<520x8xf32, #tpu.memory_space<hbm>>) dst(%dma_wait3A_43 : memref<520x8xf32, #tpu.memory_space<vmem_shared>>)
        tpu.yield
      }) : () -> ()
    } else {
    }
    %barrier3A = arith.constant 0 : index
    tpu.barrier barrier_id(%barrier3A)
    %lt3A_7 = arith.constant 2 : i32
    %lt3A_8 = arith.cmpi slt, %arg1, %lt3A_7 : i32
    %jit3A = arith.constant 1 : i32
    %jit3A_9 = arith.constant 0 : i32
    %select_n3A = arith.select %lt3A_8, %jit3A, %jit3A_9 : i32
    %add3A = arith.constant 78 : i32
    %add3A_10 = arith.addi %add3A, %select_n3A : i32
    %mul3A_11 = arith.constant 78 : i32
    %mul3A_12 = arith.muli %mul3A_11, %arg1 : i32
    %min3A = arith.constant 2 : i32
    %min3A_13 = arith.minsi %arg1, %min3A : i32
    %add3A_14 = arith.addi %mul3A_12, %min3A_13 : i32
    %while3A = arith.constant 0 : i32
    %while3A_15 = arith.constant 0 : i32
    %while3A_16 = arith.subi %add3A_10, %while3A_15 : i32
    %while3A_17 = arith.addi %while3A_15, %while3A_16 : i32
    %while3A_18 = arith.constant 1 : i32
    %while3A_19 = arith.divsi %while3A_16, %while3A_18 : i32
    %while3A_20 = arith.muli %while3A_19, %while3A_18 : i32
    %while3A_21 = arith.addi %while3A_15, %while3A_20 : i32
    %while3A_22 = arith.constant 1 : i32
    scf.for %while3A_37 = %while3A_15 to %while3A_21 step %while3A_22  : i32 {
      %mul3A_38 = arith.constant 160000 : i32
      %mul3A_39 = arith.muli %arg0, %mul3A_38 : i32
      %add3A_40 = arith.addi %add3A_14, %while3A_37 : i32
      %mul3A_41 = arith.constant 128 : i32
      %mul3A_42 = arith.muli %add3A_40, %mul3A_41 : i32
      %add3A_43 = arith.addi %mul3A_39, %mul3A_42 : i32
      "tpu.region"() ({
        %run_scoped3A = tpu.sem_alloc : memref<!tpu.dma_semaphore, #tpu.memory_space<semaphore_mem>>
        %dma_start3A = tpu.memref_slice %arg2[%add3A_43] : memref<320000xi32, #tpu.memory_space<hbm>> -> memref<128xi32, #tpu.memory_space<hbm>>
        %dma_start3A_44 = tpu.memref_slice %arg2[%add3A_43] : memref<320000xi32, #tpu.memory_space<hbm>> -> memref<128xi32, #tpu.memory_space<hbm>>
        tpu.enqueue_dma source(%dma_start3A_44 : memref<128xi32, #tpu.memory_space<hbm>>) target(%arg5 : memref<128xi32, #tpu.memory_space<vmem>>) target_semaphore(%run_scoped3A : memref<!tpu.dma_semaphore, #tpu.memory_space<semaphore_mem>>)
        %dma_wait3A = tpu.memref_slice %arg2[%add3A_43] : memref<320000xi32, #tpu.memory_space<hbm>> -> memref<128xi32, #tpu.memory_space<hbm>>
        %dma_wait3A_45 = tpu.memref_slice %arg2[%add3A_43] : memref<320000xi32, #tpu.memory_space<hbm>> -> memref<128xi32, #tpu.memory_space<hbm>>
        tpu.wait_dma2 semaphore(%run_scoped3A : memref<!tpu.dma_semaphore, #tpu.memory_space<semaphore_mem>>) src(%dma_wait3A_45 : memref<128xi32, #tpu.memory_space<hbm>>) dst(%arg5 : memref<128xi32, #tpu.memory_space<vmem>>)
        tpu.yield
      }) : () -> ()
      "tpu.region"() ({
        %run_scoped3A = tpu.sem_alloc : memref<!tpu.dma_semaphore, #tpu.memory_space<semaphore_mem>>
        %dma_start3A = arith.constant 0 : i32
        %dma_start3A_44 = arith.constant 0 : i32
        %dma_start3A_45 = tpu.memref_slice %arg7[%dma_start3A, %dma_start3A_44] : memref<10000x8xf32, #tpu.memory_space<vmem_shared>> -> memref<10000x8xf32, #tpu.memory_space<vmem_shared>>
        tpu.enqueue_indirect_dma source(%arg6 : memref<128x8xf32, #tpu.memory_space<vmem>>) target(%dma_start3A_45 : memref<10000x8xf32, #tpu.memory_space<vmem_shared>>) offsets(%arg5 : memref<128xi32, #tpu.memory_space<vmem>>) semaphore(%run_scoped3A : memref<!tpu.dma_semaphore, #tpu.memory_space<semaphore_mem>>) {add = true}
        %dma_wait3A = arith.constant 0 : i32
        %dma_wait3A_46 = arith.constant 0 : i32
        %dma_wait3A_47 = tpu.memref_slice %arg7[%dma_wait3A, %dma_wait3A_46] : memref<10000x8xf32, #tpu.memory_space<vmem_shared>> -> memref<10000x8xf32, #tpu.memory_space<vmem_shared>>
        tpu.wait_indirect_dma semaphore(%run_scoped3A : memref<!tpu.dma_semaphore, #tpu.memory_space<semaphore_mem>>) src(%arg6 : memref<128x8xf32, #tpu.memory_space<vmem>>) dst(%dma_wait3A_47 : memref<10000x8xf32, #tpu.memory_space<vmem_shared>>)
        tpu.yield
      }) : () -> ()
    }
    %while3A_23 = arith.constant 1 : i32
    scf.for %while3A_37 = %while3A_21 to %while3A_17 step %while3A_23  : i32 {
      %mul3A_38 = arith.constant 160000 : i32
      %mul3A_39 = arith.muli %arg0, %mul3A_38 : i32
      %add3A_40 = arith.addi %add3A_14, %while3A_37 : i32
      %mul3A_41 = arith.constant 128 : i32
      %mul3A_42 = arith.muli %add3A_40, %mul3A_41 : i32
      %add3A_43 = arith.addi %mul3A_39, %mul3A_42 : i32
      "tpu.region"() ({
        %run_scoped3A = tpu.sem_alloc : memref<!tpu.dma_semaphore, #tpu.memory_space<semaphore_mem>>
        %dma_start3A = tpu.memref_slice %arg2[%add3A_43] : memref<320000xi32, #tpu.memory_space<hbm>> -> memref<128xi32, #tpu.memory_space<hbm>>
        %dma_start3A_44 = tpu.memref_slice %arg2[%add3A_43] : memref<320000xi32, #tpu.memory_space<hbm>> -> memref<128xi32, #tpu.memory_space<hbm>>
        tpu.enqueue_dma source(%dma_start3A_44 : memref<128xi32, #tpu.memory_space<hbm>>) target(%arg5 : memref<128xi32, #tpu.memory_space<vmem>>) target_semaphore(%run_scoped3A : memref<!tpu.dma_semaphore, #tpu.memory_space<semaphore_mem>>)
        %dma_wait3A = tpu.memref_slice %arg2[%add3A_43] : memref<320000xi32, #tpu.memory_space<hbm>> -> memref<128xi32, #tpu.memory_space<hbm>>
        %dma_wait3A_45 = tpu.memref_slice %arg2[%add3A_43] : memref<320000xi32, #tpu.memory_space<hbm>> -> memref<128xi32, #tpu.memory_space<hbm>>
        tpu.wait_dma2 semaphore(%run_scoped3A : memref<!tpu.dma_semaphore, #tpu.memory_space<semaphore_mem>>) src(%dma_wait3A_45 : memref<128xi32, #tpu.memory_space<hbm>>) dst(%arg5 : memref<128xi32, #tpu.memory_space<vmem>>)
        tpu.yield
      }) : () -> ()
      "tpu.region"() ({
        %run_scoped3A = tpu.sem_alloc : memref<!tpu.dma_semaphore, #tpu.memory_space<semaphore_mem>>
        %dma_start3A = arith.constant 0 : i32
        %dma_start3A_44 = arith.constant 0 : i32
        %dma_start3A_45 = tpu.memref_slice %arg7[%dma_start3A, %dma_start3A_44] : memref<10000x8xf32, #tpu.memory_space<vmem_shared>> -> memref<10000x8xf32, #tpu.memory_space<vmem_shared>>
        tpu.enqueue_indirect_dma source(%arg6 : memref<128x8xf32, #tpu.memory_space<vmem>>) target(%dma_start3A_45 : memref<10000x8xf32, #tpu.memory_space<vmem_shared>>) offsets(%arg5 : memref<128xi32, #tpu.memory_space<vmem>>) semaphore(%run_scoped3A : memref<!tpu.dma_semaphore, #tpu.memory_space<semaphore_mem>>) {add = true}
        %dma_wait3A = arith.constant 0 : i32
        %dma_wait3A_46 = arith.constant 0 : i32
        %dma_wait3A_47 = tpu.memref_slice %arg7[%dma_wait3A, %dma_wait3A_46] : memref<10000x8xf32, #tpu.memory_space<vmem_shared>> -> memref<10000x8xf32, #tpu.memory_space<vmem_shared>>
        tpu.wait_indirect_dma semaphore(%run_scoped3A : memref<!tpu.dma_semaphore, #tpu.memory_space<semaphore_mem>>) src(%arg6 : memref<128x8xf32, #tpu.memory_space<vmem>>) dst(%dma_wait3A_47 : memref<10000x8xf32, #tpu.memory_space<vmem_shared>>)
        tpu.yield
      }) : () -> ()
    }
    %barrier3A_24 = arith.constant 0 : index
    tpu.barrier barrier_id(%barrier3A_24)
    %mul3A_25 = arith.constant 632 : i32
    %mul3A_26 = arith.muli %arg1, %mul3A_25 : i32
    %lt3A_27 = arith.constant 15 : i32
    %lt3A_28 = arith.cmpi slt, %arg1, %lt3A_27 : i32
    %convert_element_type3A_29 = arith.extui %lt3A_28 : i1 to i32
    %cond3A_30 = arith.constant 0 : i32
    %cond3A_31 = arith.cmpi ne, %convert_element_type3A_29, %cond3A_30 : i32
    scf.if %cond3A_31 {
      "tpu.region"() ({
        %run_scoped3A = tpu.sem_alloc : memref<!tpu.dma_semaphore, #tpu.memory_space<semaphore_mem>>
        %dma_start3A = arith.constant 0 : i32
        %dma_start3A_37 = tpu.memref_slice %arg4[%arg0, %mul3A_26, %dma_start3A] : memref<2x10000x8xf32, #tpu.memory_space<hbm>> -> memref<1x632x8xf32, #tpu.memory_space<hbm>>
        %dma_start3A_38 = tpu.memref_squeeze %dma_start3A_37 : memref<1x632x8xf32, #tpu.memory_space<hbm>> -> memref<632x8xf32, #tpu.memory_space<hbm>>
        %dma_start3A_39 = arith.constant 0 : i32
        %dma_start3A_40 = tpu.memref_slice %arg7[%mul3A_26, %dma_start3A_39] : memref<10000x8xf32, #tpu.memory_space<vmem_shared>> -> memref<632x8xf32, #tpu.memory_space<vmem_shared>>
        tpu.enqueue_dma source(%dma_start3A_40 : memref<632x8xf32, #tpu.memory_space<vmem_shared>>) target(%dma_start3A_38 : memref<632x8xf32, #tpu.memory_space<hbm>>) target_semaphore(%run_scoped3A : memref<!tpu.dma_semaphore, #tpu.memory_space<semaphore_mem>>)
        %dma_wait3A = arith.constant 0 : i32
        %dma_wait3A_41 = tpu.memref_slice %arg4[%arg0, %mul3A_26, %dma_wait3A] : memref<2x10000x8xf32, #tpu.memory_space<hbm>> -> memref<1x632x8xf32, #tpu.memory_space<hbm>>
        %dma_wait3A_42 = tpu.memref_squeeze %dma_wait3A_41 : memref<1x632x8xf32, #tpu.memory_space<hbm>> -> memref<632x8xf32, #tpu.memory_space<hbm>>
        %dma_wait3A_43 = arith.constant 0 : i32
        %dma_wait3A_44 = tpu.memref_slice %arg7[%mul3A_26, %dma_wait3A_43] : memref<10000x8xf32, #tpu.memory_space<vmem_shared>> -> memref<632x8xf32, #tpu.memory_space<vmem_shared>>
        tpu.wait_dma2 semaphore(%run_scoped3A : memref<!tpu.dma_semaphore, #tpu.memory_space<semaphore_mem>>) src(%dma_wait3A_44 : memref<632x8xf32, #tpu.memory_space<vmem_shared>>) dst(%dma_wait3A_42 : memref<632x8xf32, #tpu.memory_space<hbm>>)
        tpu.yield
      }) : () -> ()
    } else {
    }
    %eq3A_32 = arith.constant 15 : i32
    %eq3A_33 = arith.cmpi eq, %arg1, %eq3A_32 : i32
    %convert_element_type3A_34 = arith.extui %eq3A_33 : i1 to i32
    %cond3A_35 = arith.constant 0 : i32
    %cond3A_36 = arith.cmpi ne, %convert_element_type3A_34, %cond3A_35 : i32
    scf.if %cond3A_36 {
      "tpu.region"() ({
        %run_scoped3A = tpu.sem_alloc : memref<!tpu.dma_semaphore, #tpu.memory_space<semaphore_mem>>
        %dma_start3A = arith.constant 9480 : i32
        %dma_start3A_37 = arith.constant 0 : i32
        %dma_start3A_38 = tpu.memref_slice %arg4[%arg0, %dma_start3A, %dma_start3A_37] : memref<2x10000x8xf32, #tpu.memory_space<hbm>> -> memref<1x520x8xf32, #tpu.memory_space<hbm>>
        %dma_start3A_39 = tpu.memref_squeeze %dma_start3A_38 : memref<1x520x8xf32, #tpu.memory_space<hbm>> -> memref<520x8xf32, #tpu.memory_space<hbm>>
        %dma_start3A_40 = arith.constant 9480 : i32
        %dma_start3A_41 = arith.constant 0 : i32
        %dma_start3A_42 = tpu.memref_slice %arg7[%dma_start3A_40, %dma_start3A_41] : memref<10000x8xf32, #tpu.memory_space<vmem_shared>> -> memref<520x8xf32, #tpu.memory_space<vmem_shared>>
        tpu.enqueue_dma source(%dma_start3A_42 : memref<520x8xf32, #tpu.memory_space<vmem_shared>>) target(%dma_start3A_39 : memref<520x8xf32, #tpu.memory_space<hbm>>) target_semaphore(%run_scoped3A : memref<!tpu.dma_semaphore, #tpu.memory_space<semaphore_mem>>)
        %dma_wait3A = arith.constant 9480 : i32
        %dma_wait3A_43 = arith.constant 0 : i32
        %dma_wait3A_44 = tpu.memref_slice %arg4[%arg0, %dma_wait3A, %dma_wait3A_43] : memref<2x10000x8xf32, #tpu.memory_space<hbm>> -> memref<1x520x8xf32, #tpu.memory_space<hbm>>
        %dma_wait3A_45 = tpu.memref_squeeze %dma_wait3A_44 : memref<1x520x8xf32, #tpu.memory_space<hbm>> -> memref<520x8xf32, #tpu.memory_space<hbm>>
        %dma_wait3A_46 = arith.constant 9480 : i32
        %dma_wait3A_47 = arith.constant 0 : i32
        %dma_wait3A_48 = tpu.memref_slice %arg7[%dma_wait3A_46, %dma_wait3A_47] : memref<10000x8xf32, #tpu.memory_space<vmem_shared>> -> memref<520x8xf32, #tpu.memory_space<vmem_shared>>
        tpu.wait_dma2 semaphore(%run_scoped3A : memref<!tpu.dma_semaphore, #tpu.memory_space<semaphore_mem>>) src(%dma_wait3A_48 : memref<520x8xf32, #tpu.memory_space<vmem_shared>>) dst(%dma_wait3A_45 : memref<520x8xf32, #tpu.memory_space<hbm>>)
        tpu.yield
      }) : () -> ()
    } else {
    }
    return
  }
}

module attributes {stable_mosaic.version = 14 : i64} {
  func.func @_t1_body(%arg0: i32, %arg1: memref<1000x128xf32, #tpu.memory_space<vmem>>, %arg2: memref<128x256xf32, #tpu.memory_space<vmem>>, %arg3: memref<2x1000x8xf32, #tpu.memory_space<vmem>>, %arg4: memref<2x1000x128xf32, #tpu.memory_space<vmem>>, %arg5: memref<1000x1xf32, #tpu.memory_space<vmem>>) attributes {dimension_semantics = [#tpu.dimension_semantics<arbitrary>], iteration_bounds = array<i64: 10>, scalar_prefetch = 0 : i64, scratch_operands = 0 : i64, tpu.core_type = #tpu.core_type<tc>, window_params = [{transform_indices = @transform_0, window_bounds = array<i64: 1000, 128>}, {pipeline_mode = #tpu.pipeline_mode<synchronous>, transform_indices = @transform_1, window_bounds = array<i64: 128, 256>}, {transform_indices = @transform_2, window_bounds = array<i64: 2, 1000, 8>}, {transform_indices = @transform_3, window_bounds = array<i64: 2, 1000, 128>}, {transform_indices = @transform_4, window_bounds = array<i64: 1000, 1>}]} {
    %get3A = arith.constant 0 : index
    %get3A_0 = arith.constant 0 : index
    %get3A_1 = arith.constant 0 : index
    %get3A_2 = vector.load %arg3[%get3A, %get3A_0, %get3A_1] : memref<2x1000x8xf32, #tpu.memory_space<vmem>>, vector<1x1000x1xf32>
    %get3A_3 = vector.shape_cast %get3A_2 : vector<1x1000x1xf32> to vector<1000x1xf32>
    %get3A_4 = arith.constant 1 : index
    %get3A_5 = arith.constant 0 : index
    %get3A_6 = arith.constant 0 : index
    %get3A_7 = vector.load %arg3[%get3A_4, %get3A_5, %get3A_6] : memref<2x1000x8xf32, #tpu.memory_space<vmem>>, vector<1x1000x1xf32>
    %get3A_8 = vector.shape_cast %get3A_7 : vector<1x1000x1xf32> to vector<1000x1xf32>
    %add3A = arith.addf %get3A_3, %get3A_8 : vector<1000x1xf32>
    %rsqrt3A = math.rsqrt %add3A : vector<1000x1xf32>
    %get3A_9 = arith.constant 0 : index
    %get3A_10 = arith.constant 0 : index
    %get3A_11 = vector.load %arg1[%get3A_9, %get3A_10] : memref<1000x128xf32, #tpu.memory_space<vmem>>, vector<1000x128xf32>
    %get3A_12 = arith.constant 0 : index
    %get3A_13 = arith.constant 0 : index
    %get3A_14 = vector.load %arg2[%get3A_12, %get3A_13] : memref<128x256xf32, #tpu.memory_space<vmem>>, vector<128x256xf32>
    %dot_general3A = arith.constant dense<0.000000e+00> : vector<1000x256xf32>
    %dot_general3A_15 = tpu.matmul %get3A_11, %get3A_14, %dot_general3A {dimension_numbers = #tpu.dot_dimension_numbers<[1], [0], [0], [1], [0, 0, 1, 1], [], []>, transpose_lhs_hint = false} : vector<1000x128xf32>, vector<128x256xf32>, vector<1000x256xf32> -> vector<1000x256xf32>
    %mul3A = vector.broadcast %rsqrt3A : vector<1000x1xf32> to vector<1000x256xf32>
    %mul3A_16 = arith.mulf %dot_general3A_15, %mul3A : vector<1000x256xf32>
    %slice3A = vector.extract_strided_slice %mul3A_16 {offsets = [0, 0], sizes = [1000, 128], strides = [1, 1]} : vector<1000x256xf32> to vector<1000x128xf32>
    %swap3A = arith.constant 0 : index
    %swap3A_17 = arith.constant 0 : index
    %swap3A_18 = arith.constant 0 : index
    %swap3A_19 = vector.load %arg4[%swap3A, %swap3A_17, %swap3A_18] : memref<2x1000x128xf32, #tpu.memory_space<vmem>>, vector<1x1000x128xf32>
    %swap3A_20 = vector.shape_cast %swap3A_19 : vector<1x1000x128xf32> to vector<1000x128xf32>
    %swap3A_21 = vector.shape_cast %slice3A : vector<1000x128xf32> to vector<1x1000x128xf32>
    tpu.vector_store %arg4[%swap3A, %swap3A_17, %swap3A_18], %swap3A_21 {strides = array<i32>} : memref<2x1000x128xf32, #tpu.memory_space<vmem>>, vector<1x1000x128xf32>,
    %slice3A_22 = vector.extract_strided_slice %mul3A_16 {offsets = [0, 128], sizes = [1000, 128], strides = [1, 1]} : vector<1000x256xf32> to vector<1000x128xf32>
    %swap3A_23 = arith.constant 1 : index
    %swap3A_24 = arith.constant 0 : index
    %swap3A_25 = arith.constant 0 : index
    %swap3A_26 = vector.load %arg4[%swap3A_23, %swap3A_24, %swap3A_25] : memref<2x1000x128xf32, #tpu.memory_space<vmem>>, vector<1x1000x128xf32>
    %swap3A_27 = vector.shape_cast %swap3A_26 : vector<1x1000x128xf32> to vector<1000x128xf32>
    %swap3A_28 = vector.shape_cast %slice3A_22 : vector<1000x128xf32> to vector<1x1000x128xf32>
    tpu.vector_store %arg4[%swap3A_23, %swap3A_24, %swap3A_25], %swap3A_28 {strides = array<i32>} : memref<2x1000x128xf32, #tpu.memory_space<vmem>>, vector<1x1000x128xf32>,
    %swap3A_29 = arith.constant 0 : index
    %swap3A_30 = arith.constant 0 : index
    %swap3A_31 = vector.load %arg5[%swap3A_29, %swap3A_30] : memref<1000x1xf32, #tpu.memory_space<vmem>>, vector<1000x1xf32>
    tpu.vector_store %arg5[%swap3A_29, %swap3A_30], %rsqrt3A {strides = array<i32>} : memref<1000x1xf32, #tpu.memory_space<vmem>>, vector<1000x1xf32>,
    return
  }
  func.func @transform_0(%arg0: i32) -> (i32, i32) {
    %c0_i32 = arith.constant 0 : i32
    %c0_i32_0 = arith.constant 0 : i32
    return %arg0, %c0_i32 : i32, i32
  }
  func.func @transform_1(%arg0: i32) -> (i32, i32) {
    %c0_i32 = arith.constant 0 : i32
    %c0_i32_0 = arith.constant 0 : i32
    %c0_i32_1 = arith.constant 0 : i32
    return %c0_i32, %c0_i32_0 : i32, i32
  }
  func.func @transform_2(%arg0: i32) -> (i32, i32, i32) {
    %c0_i32 = arith.constant 0 : i32
    %c0_i32_0 = arith.constant 0 : i32
    %c0_i32_1 = arith.constant 0 : i32
    return %c0_i32, %arg0, %c0_i32_0 : i32, i32, i32
  }
  func.func @transform_3(%arg0: i32) -> (i32, i32, i32) {
    %c0_i32 = arith.constant 0 : i32
    %c0_i32_0 = arith.constant 0 : i32
    %c0_i32_1 = arith.constant 0 : i32
    return %c0_i32, %arg0, %c0_i32_0 : i32, i32, i32
  }
  func.func @transform_4(%arg0: i32) -> (i32, i32) {
    %c0_i32 = arith.constant 0 : i32
    %c0_i32_0 = arith.constant 0 : i32
    return %arg0, %c0_i32 : i32, i32
  }
}

module attributes {stable_mosaic.version = 14 : i64} {
  func.func @_t2_body(%arg0: i32, %arg1: memref<2x1000x128xf32, #tpu.memory_space<vmem>>, %arg2: memref<1000x1xf32, #tpu.memory_space<vmem>>, %arg3: memref<2x1x128xf32, #tpu.memory_space<vmem>>, %arg4: memref<2x128x256xf32, #tpu.memory_space<vmem>>, %arg5: memref<2x1000x128xf32, #tpu.memory_space<vmem>>) attributes {dimension_semantics = [#tpu.dimension_semantics<arbitrary>], iteration_bounds = array<i64: 10>, scalar_prefetch = 0 : i64, scratch_operands = 0 : i64, tpu.core_type = #tpu.core_type<tc>, window_params = [{transform_indices = @transform_0, window_bounds = array<i64: 2, 1000, 128>}, {transform_indices = @transform_1, window_bounds = array<i64: 1000, 1>}, {pipeline_mode = #tpu.pipeline_mode<synchronous>, transform_indices = @transform_2, window_bounds = array<i64: 2, 1, 128>}, {pipeline_mode = #tpu.pipeline_mode<synchronous>, transform_indices = @transform_3, window_bounds = array<i64: 2, 128, 256>}, {transform_indices = @transform_4, window_bounds = array<i64: 2, 1000, 128>}]} {
    %get3A = arith.constant 0 : index
    %get3A_0 = arith.constant 0 : index
    %get3A_1 = vector.load %arg2[%get3A, %get3A_0] : memref<1000x1xf32, #tpu.memory_space<vmem>>, vector<1000x1xf32>
    %get3A_2 = arith.constant 0 : index
    %get3A_3 = arith.constant 0 : index
    %get3A_4 = arith.constant 0 : index
    %get3A_5 = vector.load %arg1[%get3A_2, %get3A_3, %get3A_4] : memref<2x1000x128xf32, #tpu.memory_space<vmem>>, vector<1x1000x128xf32>
    %get3A_6 = vector.shape_cast %get3A_5 : vector<1x1000x128xf32> to vector<1000x128xf32>
    %mul3A = vector.broadcast %get3A_1 : vector<1000x1xf32> to vector<1000x128xf32>
    %mul3A_7 = arith.mulf %get3A_6, %mul3A : vector<1000x128xf32>
    %get3A_8 = arith.constant 0 : index
    %get3A_9 = arith.constant 0 : index
    %get3A_10 = arith.constant 0 : index
    %get3A_11 = vector.load %arg3[%get3A_8, %get3A_9, %get3A_10] : memref<2x1x128xf32, #tpu.memory_space<vmem>>, vector<1x1x128xf32>
    %get3A_12 = vector.shape_cast %get3A_11 : vector<1x1x128xf32> to vector<1x128xf32>
    %add3A = vector.broadcast %get3A_12 : vector<1x128xf32> to vector<1000x128xf32>
    %add3A_13 = arith.addf %mul3A_7, %add3A : vector<1000x128xf32>
    %max3A = arith.constant 0.000000e+00 : f32
    %max3A_14 = vector.broadcast %max3A : f32 to vector<1000x128xf32>
    %max3A_15 = arith.maximumf %add3A_13, %max3A_14 : vector<1000x128xf32>
    %get3A_16 = arith.constant 1 : index
    %get3A_17 = arith.constant 0 : index
    %get3A_18 = arith.constant 0 : index
    %get3A_19 = vector.load %arg1[%get3A_16, %get3A_17, %get3A_18] : memref<2x1000x128xf32, #tpu.memory_space<vmem>>, vector<1x1000x128xf32>
    %get3A_20 = vector.shape_cast %get3A_19 : vector<1x1000x128xf32> to vector<1000x128xf32>
    %mul3A_21 = vector.broadcast %get3A_1 : vector<1000x1xf32> to vector<1000x128xf32>
    %mul3A_22 = arith.mulf %get3A_20, %mul3A_21 : vector<1000x128xf32>
    %get3A_23 = arith.constant 1 : index
    %get3A_24 = arith.constant 0 : index
    %get3A_25 = arith.constant 0 : index
    %get3A_26 = vector.load %arg3[%get3A_23, %get3A_24, %get3A_25] : memref<2x1x128xf32, #tpu.memory_space<vmem>>, vector<1x1x128xf32>
    %get3A_27 = vector.shape_cast %get3A_26 : vector<1x1x128xf32> to vector<1x128xf32>
    %add3A_28 = vector.broadcast %get3A_27 : vector<1x128xf32> to vector<1000x128xf32>
    %add3A_29 = arith.addf %mul3A_22, %add3A_28 : vector<1000x128xf32>
    %max3A_30 = arith.constant 0.000000e+00 : f32
    %max3A_31 = vector.broadcast %max3A_30 : f32 to vector<1000x128xf32>
    %max3A_32 = arith.maximumf %add3A_29, %max3A_31 : vector<1000x128xf32>
    %get3A_33 = arith.constant 0 : index
    %get3A_34 = arith.constant 0 : index
    %get3A_35 = arith.constant 0 : index
    %get3A_36 = vector.load %arg4[%get3A_33, %get3A_34, %get3A_35] : memref<2x128x256xf32, #tpu.memory_space<vmem>>, vector<1x128x256xf32>
    %get3A_37 = vector.shape_cast %get3A_36 : vector<1x128x256xf32> to vector<128x256xf32>
    %dot_general3A = arith.constant dense<0.000000e+00> : vector<1000x256xf32>
    %dot_general3A_38 = tpu.matmul %max3A_15, %get3A_37, %dot_general3A {dimension_numbers = #tpu.dot_dimension_numbers<[1], [0], [0], [1], [0, 0, 1, 1], [], []>, transpose_lhs_hint = false} : vector<1000x128xf32>, vector<128x256xf32>, vector<1000x256xf32> -> vector<1000x256xf32>
    %get3A_39 = arith.constant 1 : index
    %get3A_40 = arith.constant 0 : index
    %get3A_41 = arith.constant 0 : index
    %get3A_42 = vector.load %arg4[%get3A_39, %get3A_40, %get3A_41] : memref<2x128x256xf32, #tpu.memory_space<vmem>>, vector<1x128x256xf32>
    %get3A_43 = vector.shape_cast %get3A_42 : vector<1x128x256xf32> to vector<128x256xf32>
    %dot_general3A_44 = arith.constant dense<0.000000e+00> : vector<1000x256xf32>
    %dot_general3A_45 = tpu.matmul %max3A_32, %get3A_43, %dot_general3A_44 {dimension_numbers = #tpu.dot_dimension_numbers<[1], [0], [0], [1], [0, 0, 1, 1], [], []>, transpose_lhs_hint = false} : vector<1000x128xf32>, vector<128x256xf32>, vector<1000x256xf32> -> vector<1000x256xf32>
    %add3A_46 = arith.addf %dot_general3A_38, %dot_general3A_45 : vector<1000x256xf32>
    %mul3A_47 = vector.broadcast %get3A_1 : vector<1000x1xf32> to vector<1000x256xf32>
    %mul3A_48 = arith.mulf %add3A_46, %mul3A_47 : vector<1000x256xf32>
    %slice3A = vector.extract_strided_slice %mul3A_48 {offsets = [0, 0], sizes = [1000, 128], strides = [1, 1]} : vector<1000x256xf32> to vector<1000x128xf32>
    %swap3A = arith.constant 0 : index
    %swap3A_49 = arith.constant 0 : index
    %swap3A_50 = arith.constant 0 : index
    %swap3A_51 = vector.load %arg5[%swap3A, %swap3A_49, %swap3A_50] : memref<2x1000x128xf32, #tpu.memory_space<vmem>>, vector<1x1000x128xf32>
    %swap3A_52 = vector.shape_cast %swap3A_51 : vector<1x1000x128xf32> to vector<1000x128xf32>
    %swap3A_53 = vector.shape_cast %slice3A : vector<1000x128xf32> to vector<1x1000x128xf32>
    tpu.vector_store %arg5[%swap3A, %swap3A_49, %swap3A_50], %swap3A_53 {strides = array<i32>} : memref<2x1000x128xf32, #tpu.memory_space<vmem>>, vector<1x1000x128xf32>,
    %slice3A_54 = vector.extract_strided_slice %mul3A_48 {offsets = [0, 128], sizes = [1000, 128], strides = [1, 1]} : vector<1000x256xf32> to vector<1000x128xf32>
    %swap3A_55 = arith.constant 1 : index
    %swap3A_56 = arith.constant 0 : index
    %swap3A_57 = arith.constant 0 : index
    %swap3A_58 = vector.load %arg5[%swap3A_55, %swap3A_56, %swap3A_57] : memref<2x1000x128xf32, #tpu.memory_space<vmem>>, vector<1x1000x128xf32>
    %swap3A_59 = vector.shape_cast %swap3A_58 : vector<1x1000x128xf32> to vector<1000x128xf32>
    %swap3A_60 = vector.shape_cast %slice3A_54 : vector<1000x128xf32> to vector<1x1000x128xf32>
    tpu.vector_store %arg5[%swap3A_55, %swap3A_56, %swap3A_57], %swap3A_60 {strides = array<i32>} : memref<2x1000x128xf32, #tpu.memory_space<vmem>>, vector<1x1000x128xf32>,
    return
  }
  func.func @transform_0(%arg0: i32) -> (i32, i32, i32) {
    %c0_i32 = arith.constant 0 : i32
    %c0_i32_0 = arith.constant 0 : i32
    %c0_i32_1 = arith.constant 0 : i32
    return %c0_i32, %arg0, %c0_i32_0 : i32, i32, i32
  }
  func.func @transform_1(%arg0: i32) -> (i32, i32) {
    %c0_i32 = arith.constant 0 : i32
    %c0_i32_0 = arith.constant 0 : i32
    return %arg0, %c0_i32 : i32, i32
  }
  func.func @transform_2(%arg0: i32) -> (i32, i32, i32) {
    %c0_i32 = arith.constant 0 : i32
    %c0_i32_0 = arith.constant 0 : i32
    %c0_i32_1 = arith.constant 0 : i32
    %c0_i32_2 = arith.constant 0 : i32
    return %c0_i32, %c0_i32_0, %c0_i32_1 : i32, i32, i32
  }
  func.func @transform_3(%arg0: i32) -> (i32, i32, i32) {
    %c0_i32 = arith.constant 0 : i32
    %c0_i32_0 = arith.constant 0 : i32
    %c0_i32_1 = arith.constant 0 : i32
    %c0_i32_2 = arith.constant 0 : i32
    return %c0_i32, %c0_i32_0, %c0_i32_1 : i32, i32, i32
  }
  func.func @transform_4(%arg0: i32) -> (i32, i32, i32) {
    %c0_i32 = arith.constant 0 : i32
    %c0_i32_0 = arith.constant 0 : i32
    %c0_i32_1 = arith.constant 0 : i32
    return %c0_i32, %arg0, %c0_i32_0 : i32, i32, i32
  }
}

module attributes {stable_mosaic.version = 14 : i64} {
  func.func @_t3_body(%arg0: i32, %arg1: memref<2x1000x128xf32, #tpu.memory_space<vmem>>, %arg2: memref<1000x1xf32, #tpu.memory_space<vmem>>, %arg3: memref<2x1x128xf32, #tpu.memory_space<vmem>>, %arg4: memref<2x128x128xf32, #tpu.memory_space<vmem>>, %arg5: memref<1x128xf32, #tpu.memory_space<vmem>>, %arg6: memref<128x8xf32, #tpu.memory_space<vmem>>, %arg7: memref<1x8xf32, #tpu.memory_space<vmem>>, %arg8: memref<2x128x128xf32, #tpu.memory_space<vmem>>, %arg9: memref<1x128xf32, #tpu.memory_space<vmem>>, %arg10: memref<128x1xf32, #tpu.memory_space<vmem>>, %arg11: memref<1x1xf32, #tpu.memory_space<vmem>>, %arg12: memref<1000x8xf32, #tpu.memory_space<vmem>>, %arg13: memref<1000x1xf32, #tpu.memory_space<vmem>>, %arg14: memref<1000x8xf32, #tpu.memory_space<vmem>>) attributes {dimension_semantics = [#tpu.dimension_semantics<arbitrary>], iteration_bounds = array<i64: 10>, scalar_prefetch = 0 : i64, scratch_operands = 0 : i64, tpu.core_type = #tpu.core_type<tc>, window_params = [{transform_indices = @transform_0, window_bounds = array<i64: 2, 1000, 128>}, {transform_indices = @transform_1, window_bounds = array<i64: 1000, 1>}, {pipeline_mode = #tpu.pipeline_mode<synchronous>, transform_indices = @transform_2, window_bounds = array<i64: 2, 1, 128>}, {pipeline_mode = #tpu.pipeline_mode<synchronous>, transform_indices = @transform_3, window_bounds = array<i64: 2, 128, 128>}, {pipeline_mode = #tpu.pipeline_mode<synchronous>, transform_indices = @transform_4, window_bounds = array<i64: 1, 128>}, {pipeline_mode = #tpu.pipeline_mode<synchronous>, transform_indices = @transform_5, window_bounds = array<i64: 128, 8>}, {pipeline_mode = #tpu.pipeline_mode<synchronous>, transform_indices = @transform_6, window_bounds = array<i64: 1, 8>}, {pipeline_mode = #tpu.pipeline_mode<synchronous>, transform_indices = @transform_7, window_bounds = array<i64: 2, 128, 128>}, {pipeline_mode = #tpu.pipeline_mode<synchronous>, transform_indices = @transform_8, window_bounds = array<i64: 1, 128>}, {pipeline_mode = #tpu.pipeline_mode<synchronous>, transform_indices = @transform_9, window_bounds = array<i64: 128, 1>}, {pipeline_mode = #tpu.pipeline_mode<synchronous>, transform_indices = @transform_10, window_bounds = array<i64: 1, 1>}, {transform_indices = @transform_11, window_bounds = array<i64: 1000, 8>}, {transform_indices = @transform_12, window_bounds = array<i64: 1000, 1>}, {transform_indices = @transform_13, window_bounds = array<i64: 1000, 8>}]} {
    %get3A = arith.constant 0 : index
    %get3A_0 = arith.constant 0 : index
    %get3A_1 = vector.load %arg2[%get3A, %get3A_0] : memref<1000x1xf32, #tpu.memory_space<vmem>>, vector<1000x1xf32>
    %get3A_2 = arith.constant 0 : index
    %get3A_3 = arith.constant 0 : index
    %get3A_4 = arith.constant 0 : index
    %get3A_5 = vector.load %arg1[%get3A_2, %get3A_3, %get3A_4] : memref<2x1000x128xf32, #tpu.memory_space<vmem>>, vector<1x1000x128xf32>
    %get3A_6 = vector.shape_cast %get3A_5 : vector<1x1000x128xf32> to vector<1000x128xf32>
    %mul3A = vector.broadcast %get3A_1 : vector<1000x1xf32> to vector<1000x128xf32>
    %mul3A_7 = arith.mulf %get3A_6, %mul3A : vector<1000x128xf32>
    %get3A_8 = arith.constant 0 : index
    %get3A_9 = arith.constant 0 : index
    %get3A_10 = arith.constant 0 : index
    %get3A_11 = vector.load %arg3[%get3A_8, %get3A_9, %get3A_10] : memref<2x1x128xf32, #tpu.memory_space<vmem>>, vector<1x1x128xf32>
    %get3A_12 = vector.shape_cast %get3A_11 : vector<1x1x128xf32> to vector<1x128xf32>
    %add3A = vector.broadcast %get3A_12 : vector<1x128xf32> to vector<1000x128xf32>
    %add3A_13 = arith.addf %mul3A_7, %add3A : vector<1000x128xf32>
    %max3A = arith.constant 0.000000e+00 : f32
    %max3A_14 = vector.broadcast %max3A : f32 to vector<1000x128xf32>
    %max3A_15 = arith.maximumf %add3A_13, %max3A_14 : vector<1000x128xf32>
    %get3A_16 = arith.constant 1 : index
    %get3A_17 = arith.constant 0 : index
    %get3A_18 = arith.constant 0 : index
    %get3A_19 = vector.load %arg1[%get3A_16, %get3A_17, %get3A_18] : memref<2x1000x128xf32, #tpu.memory_space<vmem>>, vector<1x1000x128xf32>
    %get3A_20 = vector.shape_cast %get3A_19 : vector<1x1000x128xf32> to vector<1000x128xf32>
    %mul3A_21 = vector.broadcast %get3A_1 : vector<1000x1xf32> to vector<1000x128xf32>
    %mul3A_22 = arith.mulf %get3A_20, %mul3A_21 : vector<1000x128xf32>
    %get3A_23 = arith.constant 1 : index
    %get3A_24 = arith.constant 0 : index
    %get3A_25 = arith.constant 0 : index
    %get3A_26 = vector.load %arg3[%get3A_23, %get3A_24, %get3A_25] : memref<2x1x128xf32, #tpu.memory_space<vmem>>, vector<1x1x128xf32>
    %get3A_27 = vector.shape_cast %get3A_26 : vector<1x1x128xf32> to vector<1x128xf32>
    %add3A_28 = vector.broadcast %get3A_27 : vector<1x128xf32> to vector<1000x128xf32>
    %add3A_29 = arith.addf %mul3A_22, %add3A_28 : vector<1000x128xf32>
    %max3A_30 = arith.constant 0.000000e+00 : f32
    %max3A_31 = vector.broadcast %max3A_30 : f32 to vector<1000x128xf32>
    %max3A_32 = arith.maximumf %add3A_29, %max3A_31 : vector<1000x128xf32>
    %get3A_33 = arith.constant 0 : index
    %get3A_34 = arith.constant 0 : index
    %get3A_35 = arith.constant 0 : index
    %get3A_36 = vector.load %arg4[%get3A_33, %get3A_34, %get3A_35] : memref<2x128x128xf32, #tpu.memory_space<vmem>>, vector<1x128x128xf32>
    %get3A_37 = vector.shape_cast %get3A_36 : vector<1x128x128xf32> to vector<128x128xf32>
    %dot_general3A = arith.constant dense<0.000000e+00> : vector<1000x128xf32>
    %dot_general3A_38 = tpu.matmul %max3A_15, %get3A_37, %dot_general3A {dimension_numbers = #tpu.dot_dimension_numbers<[1], [0], [0], [1], [0, 0, 1, 1], [], []>, transpose_lhs_hint = false} : vector<1000x128xf32>, vector<128x128xf32>, vector<1000x128xf32> -> vector<1000x128xf32>
    %get3A_39 = arith.constant 1 : index
    %get3A_40 = arith.constant 0 : index
    %get3A_41 = arith.constant 0 : index
    %get3A_42 = vector.load %arg4[%get3A_39, %get3A_40, %get3A_41] : memref<2x128x128xf32, #tpu.memory_space<vmem>>, vector<1x128x128xf32>
    %get3A_43 = vector.shape_cast %get3A_42 : vector<1x128x128xf32> to vector<128x128xf32>
    %dot_general3A_44 = arith.constant dense<0.000000e+00> : vector<1000x128xf32>
    %dot_general3A_45 = tpu.matmul %max3A_32, %get3A_43, %dot_general3A_44 {dimension_numbers = #tpu.dot_dimension_numbers<[1], [0], [0], [1], [0, 0, 1, 1], [], []>, transpose_lhs_hint = false} : vector<1000x128xf32>, vector<128x128xf32>, vector<1000x128xf32> -> vector<1000x128xf32>
    %add3A_46 = arith.addf %dot_general3A_38, %dot_general3A_45 : vector<1000x128xf32>
    %get3A_47 = arith.constant 0 : index
    %get3A_48 = arith.constant 0 : index
    %get3A_49 = vector.load %arg5[%get3A_47, %get3A_48] : memref<1x128xf32, #tpu.memory_space<vmem>>, vector<1x128xf32>
    %add3A_50 = vector.broadcast %get3A_49 : vector<1x128xf32> to vector<1000x128xf32>
    %add3A_51 = arith.addf %add3A_46, %add3A_50 : vector<1000x128xf32>
    %max3A_52 = arith.constant 0.000000e+00 : f32
    %max3A_53 = vector.broadcast %max3A_52 : f32 to vector<1000x128xf32>
    %max3A_54 = arith.maximumf %add3A_51, %max3A_53 : vector<1000x128xf32>
    %get3A_55 = arith.constant 0 : index
    %get3A_56 = arith.constant 0 : index
    %get3A_57 = vector.load %arg6[%get3A_55, %get3A_56] : memref<128x8xf32, #tpu.memory_space<vmem>>, vector<128x8xf32>
    %dot_general3A_58 = arith.constant dense<0.000000e+00> : vector<1000x8xf32>
    %dot_general3A_59 = tpu.matmul %max3A_54, %get3A_57, %dot_general3A_58 {dimension_numbers = #tpu.dot_dimension_numbers<[1], [0], [0], [1], [0, 0, 1, 1], [], []>, transpose_lhs_hint = false} : vector<1000x128xf32>, vector<128x8xf32>, vector<1000x8xf32> -> vector<1000x8xf32>
    %get3A_60 = arith.constant 0 : index
    %get3A_61 = arith.constant 0 : index
    %get3A_62 = vector.load %arg7[%get3A_60, %get3A_61] : memref<1x8xf32, #tpu.memory_space<vmem>>, vector<1x8xf32>
    %add3A_63 = vector.broadcast %get3A_62 : vector<1x8xf32> to vector<1000x8xf32>
    %add3A_64 = arith.addf %dot_general3A_59, %add3A_63 : vector<1000x8xf32>
    %get3A_65 = arith.constant 0 : index
    %get3A_66 = arith.constant 0 : index
    %get3A_67 = arith.constant 0 : index
    %get3A_68 = vector.load %arg8[%get3A_65, %get3A_66, %get3A_67] : memref<2x128x128xf32, #tpu.memory_space<vmem>>, vector<1x128x128xf32>
    %get3A_69 = vector.shape_cast %get3A_68 : vector<1x128x128xf32> to vector<128x128xf32>
    %dot_general3A_70 = arith.constant dense<0.000000e+00> : vector<1000x128xf32>
    %dot_general3A_71 = tpu.matmul %max3A_15, %get3A_69, %dot_general3A_70 {dimension_numbers = #tpu.dot_dimension_numbers<[1], [0], [0], [1], [0, 0, 1, 1], [], []>, transpose_lhs_hint = false} : vector<1000x128xf32>, vector<128x128xf32>, vector<1000x128xf32> -> vector<1000x128xf32>
    %get3A_72 = arith.constant 1 : index
    %get3A_73 = arith.constant 0 : index
    %get3A_74 = arith.constant 0 : index
    %get3A_75 = vector.load %arg8[%get3A_72, %get3A_73, %get3A_74] : memref<2x128x128xf32, #tpu.memory_space<vmem>>, vector<1x128x128xf32>
    %get3A_76 = vector.shape_cast %get3A_75 : vector<1x128x128xf32> to vector<128x128xf32>
    %dot_general3A_77 = arith.constant dense<0.000000e+00> : vector<1000x128xf32>
    %dot_general3A_78 = tpu.matmul %max3A_32, %get3A_76, %dot_general3A_77 {dimension_numbers = #tpu.dot_dimension_numbers<[1], [0], [0], [1], [0, 0, 1, 1], [], []>, transpose_lhs_hint = false} : vector<1000x128xf32>, vector<128x128xf32>, vector<1000x128xf32> -> vector<1000x128xf32>
    %add3A_79 = arith.addf %dot_general3A_71, %dot_general3A_78 : vector<1000x128xf32>
    %get3A_80 = arith.constant 0 : index
    %get3A_81 = arith.constant 0 : index
    %get3A_82 = vector.load %arg9[%get3A_80, %get3A_81] : memref<1x128xf32, #tpu.memory_space<vmem>>, vector<1x128xf32>
    %add3A_83 = vector.broadcast %get3A_82 : vector<1x128xf32> to vector<1000x128xf32>
    %add3A_84 = arith.addf %add3A_79, %add3A_83 : vector<1000x128xf32>
    %max3A_85 = arith.constant 0.000000e+00 : f32
    %max3A_86 = vector.broadcast %max3A_85 : f32 to vector<1000x128xf32>
    %max3A_87 = arith.maximumf %add3A_84, %max3A_86 : vector<1000x128xf32>
    %get3A_88 = arith.constant 0 : index
    %get3A_89 = arith.constant 0 : index
    %get3A_90 = vector.load %arg10[%get3A_88, %get3A_89] : memref<128x1xf32, #tpu.memory_space<vmem>>, vector<128x1xf32>
    %dot_general3A_91 = arith.constant dense<0.000000e+00> : vector<1000x1xf32>
    %dot_general3A_92 = tpu.matmul %max3A_87, %get3A_90, %dot_general3A_91 {dimension_numbers = #tpu.dot_dimension_numbers<[1], [0], [0], [1], [0, 0, 1, 1], [], []>, transpose_lhs_hint = false} : vector<1000x128xf32>, vector<128x1xf32>, vector<1000x1xf32> -> vector<1000x1xf32>
    %get3A_93 = arith.constant 0 : index
    %get3A_94 = arith.constant 0 : index
    %get3A_95 = vector.load %arg11[%get3A_93, %get3A_94] : memref<1x1xf32, #tpu.memory_space<vmem>>, vector<1x1xf32>
    %add3A_96 = vector.broadcast %get3A_95 : vector<1x1xf32> to vector<1000x1xf32>
    %add3A_97 = arith.addf %dot_general3A_92, %add3A_96 : vector<1000x1xf32>
    %reduce_max3A = arith.constant dense<0xFF800000> : vector<1000xf32>
    %reduce_max3A_98 = vector.multi_reduction <maximumf>, %add3A_64, %reduce_max3A [1] : vector<1000x8xf32> to vector<1000xf32>
    %broadcast_in_dim3A = vector.shape_cast %reduce_max3A_98 : vector<1000xf32> to vector<1000x1xf32>
    %sub3A = vector.broadcast %broadcast_in_dim3A : vector<1000x1xf32> to vector<1000x8xf32>
    %sub3A_99 = arith.subf %add3A_64, %sub3A : vector<1000x8xf32>
    %exp3A = math.exp %sub3A_99 : vector<1000x8xf32>
    %swap3A = arith.constant 0 : index
    %swap3A_100 = arith.constant 0 : index
    %swap3A_101 = vector.load %arg12[%swap3A, %swap3A_100] : memref<1000x8xf32, #tpu.memory_space<vmem>>, vector<1000x8xf32>
    tpu.vector_store %arg12[%swap3A, %swap3A_100], %add3A_64 {strides = array<i32>} : memref<1000x8xf32, #tpu.memory_space<vmem>>, vector<1000x8xf32>,
    %swap3A_102 = arith.constant 0 : index
    %swap3A_103 = arith.constant 0 : index
    %swap3A_104 = vector.load %arg13[%swap3A_102, %swap3A_103] : memref<1000x1xf32, #tpu.memory_space<vmem>>, vector<1000x1xf32>
    tpu.vector_store %arg13[%swap3A_102, %swap3A_103], %add3A_97 {strides = array<i32>} : memref<1000x1xf32, #tpu.memory_space<vmem>>, vector<1000x1xf32>,
    %reduce_sum3A = arith.constant dense<0.000000e+00> : vector<1000xf32>
    %reduce_sum3A_105 = vector.multi_reduction <add>, %exp3A, %reduce_sum3A [1] : vector<1000x8xf32> to vector<1000xf32>
    %broadcast_in_dim3A_106 = vector.shape_cast %reduce_sum3A_105 : vector<1000xf32> to vector<1000x1xf32>
    %div3A = vector.broadcast %broadcast_in_dim3A_106 : vector<1000x1xf32> to vector<1000x8xf32>
    %div3A_107 = arith.divf %exp3A, %div3A : vector<1000x8xf32>
    %swap3A_108 = arith.constant 0 : index
    %swap3A_109 = arith.constant 0 : index
    %swap3A_110 = vector.load %arg14[%swap3A_108, %swap3A_109] : memref<1000x8xf32, #tpu.memory_space<vmem>>, vector<1000x8xf32>
    tpu.vector_store %arg14[%swap3A_108, %swap3A_109], %div3A_107 {strides = array<i32>} : memref<1000x8xf32, #tpu.memory_space<vmem>>, vector<1000x8xf32>,
    return
  }
  func.func @transform_0(%arg0: i32) -> (i32, i32, i32) {
    %c0_i32 = arith.constant 0 : i32
    %c0_i32_0 = arith.constant 0 : i32
    %c0_i32_1 = arith.constant 0 : i32
    return %c0_i32, %arg0, %c0_i32_0 : i32, i32, i32
  }
  func.func @transform_1(%arg0: i32) -> (i32, i32) {
    %c0_i32 = arith.constant 0 : i32
    %c0_i32_0 = arith.constant 0 : i32
    return %arg0, %c0_i32 : i32, i32
  }
  func.func @transform_2(%arg0: i32) -> (i32, i32, i32) {
    %c0_i32 = arith.constant 0 : i32
    %c0_i32_0 = arith.constant 0 : i32
    %c0_i32_1 = arith.constant 0 : i32
    %c0_i32_2 = arith.constant 0 : i32
    return %c0_i32, %c0_i32_0, %c0_i32_1 : i32, i32, i32
  }
  func.func @transform_3(%arg0: i32) -> (i32, i32, i32) {
    %c0_i32 = arith.constant 0 : i32
    %c0_i32_0 = arith.constant 0 : i32
    %c0_i32_1 = arith.constant 0 : i32
    %c0_i32_2 = arith.constant 0 : i32
    return %c0_i32, %c0_i32_0, %c0_i32_1 : i32, i32, i32
  }
  func.func @transform_4(%arg0: i32) -> (i32, i32) {
    %c0_i32 = arith.constant 0 : i32
    %c0_i32_0 = arith.constant 0 : i32
    %c0_i32_1 = arith.constant 0 : i32
    return %c0_i32, %c0_i32_0 : i32, i32
  }
  func.func @transform_5(%arg0: i32) -> (i32, i32) {
    %c0_i32 = arith.constant 0 : i32
    %c0_i32_0 = arith.constant 0 : i32
    %c0_i32_1 = arith.constant 0 : i32
    return %c0_i32, %c0_i32_0 : i32, i32
  }
  func.func @transform_6(%arg0: i32) -> (i32, i32) {
    %c0_i32 = arith.constant 0 : i32
    %c0_i32_0 = arith.constant 0 : i32
    %c0_i32_1 = arith.constant 0 : i32
    return %c0_i32, %c0_i32_0 : i32, i32
  }
  func.func @transform_7(%arg0: i32) -> (i32, i32, i32) {
    %c0_i32 = arith.constant 0 : i32
    %c0_i32_0 = arith.constant 0 : i32
    %c0_i32_1 = arith.constant 0 : i32
    %c0_i32_2 = arith.constant 0 : i32
    return %c0_i32, %c0_i32_0, %c0_i32_1 : i32, i32, i32
  }
  func.func @transform_8(%arg0: i32) -> (i32, i32) {
    %c0_i32 = arith.constant 0 : i32
    %c0_i32_0 = arith.constant 0 : i32
    %c0_i32_1 = arith.constant 0 : i32
    return %c0_i32, %c0_i32_0 : i32, i32
  }
  func.func @transform_9(%arg0: i32) -> (i32, i32) {
    %c0_i32 = arith.constant 0 : i32
    %c0_i32_0 = arith.constant 0 : i32
    %c0_i32_1 = arith.constant 0 : i32
    return %c0_i32, %c0_i32_0 : i32, i32
  }
  func.func @transform_10(%arg0: i32) -> (i32, i32) {
    %c0_i32 = arith.constant 0 : i32
    %c0_i32_0 = arith.constant 0 : i32
    %c0_i32_1 = arith.constant 0 : i32
    return %c0_i32, %c0_i32_0 : i32, i32
  }
  func.func @transform_11(%arg0: i32) -> (i32, i32) {
    %c0_i32 = arith.constant 0 : i32
    %c0_i32_0 = arith.constant 0 : i32
    return %arg0, %c0_i32 : i32, i32
  }
  func.func @transform_12(%arg0: i32) -> (i32, i32) {
    %c0_i32 = arith.constant 0 : i32
    %c0_i32_0 = arith.constant 0 : i32
    return %arg0, %c0_i32 : i32, i32
  }
  func.func @transform_13(%arg0: i32) -> (i32, i32) {
    %c0_i32 = arith.constant 0 : i32
    %c0_i32_0 = arith.constant 0 : i32
    return %arg0, %c0_i32 : i32, i32
  }
}

</mosaic_0001>

<sc_bundles>
// kernel: kernel.11.cloned.1.call-start
scs
__scs_entry_jumppad:
0x0: {  	(pc) =	sbr.rel $0x88, $3  }
0x1: {  	(tag) =	ssettag $0x0;
	lr =	simm.s32 $0x1  }
0x2: {  	[smem:$0x3F93] =	sst lr;
	_ =	strace $0xD0000000  }
0x3: {  	_ = 	snop  }
0x4: {  	_ = 	snop  }
0x5: {  	_ = 	snop  }
0x6: {  	_ = 	snop  }
0x7: {  	_ = 	snop  }
__scs_overlays_trampoline_lowered:
0x8: {  	[smem:$0x3FA2] =	sst s0  }
0x9: {  	[smem:$0x3FA3] =	sst s1  }
0xa: {  	[smem:$0x3FA4] =	sst s2  }
0xb: {  	[smem:$0x3FA5] =	sst s3  }
0xc: {  	[smem:$0x3FA6] =	sst s4  }
0xd: {  	[smem:$0x3FA7] =	sst s5  }
0xe: {  	[smem:$0x3FA8] =	sst s6  }
0xf: {  	[smem:$0x3FA9] =	sst s7  }
0x10: {  	[smem:$0x3FAA] =	sst s8  }
0x11: {  	[smem:$0x3FAB] =	sst s9;
	s0 =	simm.s32 @!p0 $0x0  }
0x12: {  	s1 =	sld [smem:$0x3F91];
	s0 =	simm.s32 @p0 $0x1  }
0x13: {  	[smem:$0x3FAC] =	sst s0;
	s0 =	simm.s32 @!p1 $0x0  }
0x14: {  	s2 =	sld [smem:$0x3F90];
	s0 =	simm.s32 @p1 $0x1  }
0x15: {  	[smem:$0x3FAD] =	sst s0;
	s0 =	simm.s32 @!p2 $0x0  }
0x16: {  	s3 =	sld [smem:$0x3FDB];
	s0 =	simm.s32 @p2 $0x1  }
0x17: {  	s4 =	simm.s32 $0x1BF5;
	[smem:$0x3FAF] =	sst s0  }
0x18: {  	s0 =	sld [smem:$0x3F92];
	_ =	swait.ge [sflag:s4], $0x0  }
0x19: {  	s7 =	sld [smem:$0x3F93]  }
0x1a: {  	s8 =	sadd.s32 $0xFFFFE003, lr  }
0x1b: {  	s9 =	sadd.s32 $0xFFFFFEF7, lr;
	s5 =	simm.s32 $0xFFFFFFFF;
	p2 =	slt.u32 s8, $0xFFFFF086  }
0x1c: {  	p1 =	slt.u32 s9, $0xF7A;
	s5 =	simm.s32 @!p2 $0x0  }
0x1d: {  	s5 =	simm.s32 @p1 $0x1;
	p0 =	seq.s32 s7, s2  }
0x1e: {  	s7 =	smul.u32 @!p0 $0xF7A, s2;
	p2 =	seq.s32 @!p0 s5, $0x0  }
0x1f: {  	s9 =	smul.u32 $0xF7A, s1;
	s8 =	simm.s32 @!p0 $0x1BF5;
	p2 =	por !p2, p0  }
0x20: {  	[sflag:s8] =	ssyncset.s32 @!p0 $0xFFFFF086;
	s6 =	sadd.s32 @!p0 s3, s7;
	s7 =	simm.s32 @!p0 $0x108  }
0x21: {  	s3 =	sadd.s32 s3, s9;
	s6 =	sadd.s32 @!p0 $0x88, s6;
	s7 =	simm.s32 @p2 $0x1082  }
0x22: {  	[simem:s7], [sflag:s8] =	dma.local @!p0 [hbm:s6], $0xF7A  }
0x23: {  	s9 =	sor.u32 $0xD0000000, s2;
	s6 =	simm.s32 $0x108;
	_ =	swait.ge @!p0 [sflag:s8], $0x0  }
0x24: {  	s3 =	sadd.s32 $0x88, s3;
	s6 =	simm.s32 @!p1 $0x1082;
	[sflag:s4] =	ssyncset.s32 $0xFFFFF086  }
0x25: {  	[simem:s6], [sflag:s4] =	dma.local [hbm:s3], $0xF7A  }
0x26: {  	[smem:$0x3F93] =	sst s1;
	(tag) =	ssettag s2;
	_ =	strace s9  }
0x27: {  	s1 =	sld [smem:$0x3FA3]  }
0x28: {  	s2 =	sld [smem:$0x3FA4]  }
0x29: {  	s4 =	sld [smem:$0x3FA6]  }
0x2a: {  	p0 =	seq.s32 s5, $0x0;
	s5 =	sld [smem:$0x3FA7]  }
0x2b: {  	s6 =	sld [smem:$0x3FA8]  }
0x2c: {  	s7 =	sld [smem:$0x3FA9]  }
0x2d: {  	s3 =	simm.s32 $0x108;
	s8 =	sld [smem:$0x3FAA]  }
0x2e: {  	s3 =	simm.s32 @!p0 $0x1082;
	s9 =	sld [smem:$0x3FAB]  }
0x2f: {  	lr =	sadd.s32 s0, s3;
	s0 =	sld [smem:$0x3FA2]  }
0x30: {  	s3 =	sld [smem:$0x3FA5]  }
0x31: {  	[smem:$0x3FAE] =	sst s10  }
0x32: {  	s10 =	sld [smem:$0x3FAC];
	_ =	sdelay $0x3  }
0x33: {  	p0 =	seq.s32 s10, $0x1;
	s10 =	sld [smem:$0x3FAE];
	_ =	sdelay $0x3  }
0x34: {  	[smem:$0x3FAE] =	sst s10  }
0x35: {  	s10 =	sld [smem:$0x3FAD];
	_ =	sdelay $0x3  }
0x36: {  	p1 =	seq.s32 s10, $0x1;
	s10 =	sld [smem:$0x3FAE];
	_ =	sdelay $0x3  }
0x37: {  	[smem:$0x3FAE] =	sst s10  }
0x38: {  	s10 =	sld [smem:$0x3FAF]  }
0x39: {  	_ = 	snop;
	(pc) =	sbr.ind lr, $3  }
0x3a: {  	_ = 	snop  }
0x3b: {  	_ = 	snop  }
0x3c: {  	p2 =	seq.s32 s10, $0x1;
	s10 =	sld [smem:$0x3FAE]  }
0x3d: {  	_ =	shalt  }
0x3e: {  	_ =	shalt  }
0x3f: {  	_ =	shalt  }
0x40: {  	_ =	shalt  }
0x41: {  	_ =	shalt  }
0x42: {  	_ =	shalt  }
0x43: {  	_ =	shalt  }
0x44: {  	_ =	shalt  }
0x45: {  	_ =	shalt  }
0x46: {  	_ =	shalt  }
0x47: {  	_ =	shalt  }
0x48: {  	_ =	shalt  }
0x49: {  	_ =	shalt  }
0x4a: {  	_ =	shalt  }
0x4b: {  	_ =	shalt  }
0x4c: {  	_ =	shalt  }
0x4d: {  	_ =	shalt  }
0x4e: {  	_ =	shalt  }
0x4f: {  	_ =	shalt  }
0x50: {  	_ =	shalt  }
0x51: {  	_ =	shalt  }
0x52: {  	_ =	shalt  }
0x53: {  	_ =	shalt  }
0x54: {  	_ =	shalt  }
0x55: {  	_ =	shalt  }
0x56: {  	_ =	shalt  }
0x57: {  	_ =	shalt  }
0x58: {  	_ =	shalt  }
0x59: {  	_ =	shalt  }
0x5a: {  	_ =	shalt  }
0x5b: {  	_ =	shalt  }
0x5c: {  	_ =	shalt  }
0x5d: {  	_ =	shalt  }
0x5e: {  	_ =	shalt  }
0x5f: {  	_ =	shalt  }
0x60: {  	_ =	shalt  }
0x61: {  	_ =	shalt  }
0x62: {  	_ =	shalt  }
0x63: {  	_ =	shalt  }
0x64: {  	_ =	shalt  }
0x65: {  	_ =	shalt  }
0x66: {  	_ =	shalt  }
0x67: {  	_ =	shalt  }
0x68: {  	_ =	shalt  }
0x69: {  	_ =	shalt  }
0x6a: {  	_ =	shalt  }
0x6b: {  	_ =	shalt  }
0x6c: {  	_ =	shalt  }
0x6d: {  	_ =	shalt  }
0x6e: {  	_ =	shalt  }
0x6f: {  	_ =	shalt  }
0x70: {  	_ =	shalt  }
0x71: {  	_ =	shalt  }
0x72: {  	_ =	shalt  }
0x73: {  	_ =	shalt  }
0x74: {  	_ =	shalt  }
0x75: {  	_ =	shalt  }
0x76: {  	_ =	shalt  }
0x77: {  	_ =	shalt  }
0x78: {  	_ =	shalt  }
0x79: {  	_ =	shalt  }
0x7a: {  	_ =	shalt  }
0x7b: {  	_ =	shalt  }
0x7c: {  	_ =	shalt  }
0x7d: {  	_ =	shalt  }
0x7e: {  	_ =	shalt  }
0x7f: {  	_ =	shalt  }
0x80: {  	_ =	shalt  }
0x81: {  	_ =	shalt  }
0x82: {  	_ =	shalt  }
0x83: {  	_ =	shalt  }
0x84: {  	_ =	shalt  }
0x85: {  	_ =	shalt  }
0x86: {  	_ =	shalt  }
0x87: {  	_ =	shalt  }
.Lfunc_end0:
.L_simem_size_0:
called_computation.1_lowered:
.L_overlay_start_0:
0x88: {  	s2 =	sld [smem:$0x3FD9]  }
0x89: {  	s3 =	sld [smem:$0x3FFE];
	_ =	sdelay $0x1  }
0x8a: {  	s1 =	srdreg.scid  }
0x8b: {  	s0 =	sand.u32 $0x1, s1  }
0x8c: {  	s16 =	sshll.u32 s0, $0xA;
	s2 =	sadd.s32 s3, s2  }
0x8d: {  	s2 =	sadd.s32 s2, s16  }
0x8e: {  	[smem:$0x3FBA] =	sst s2  }
0x8f: {  	_ = 	snop  }
0x90: {  	(tm) =	ssettm $0x1  }
0x91: {  	s17 =	sld [smem:$0x3FFB];
	_ =	sdelay $0x3  }
0x92: {  	_ =	strace s17  }
0x93: {  	s2 =	sld [smem:$0x3FFC];
	_ =	sdelay $0x3  }
0x94: {  	_ =	strace s2  }
0x95: {  	s2 =	sld [smem:$0x3FFD];
	_ =	sdelay $0x3  }
0x96: {  	_ =	strace s2  }
0x97: {  	_ =	strace $0x8FFFFFFF  }
0x98: {  	s18 =	sld [smem:$0x3FDB];
	_ =	sdelay $0x1  }
0x99: {  	s19 =	simm.s32 $_scs_section_size  }
0x9a: {  	s4 =	simm.s32 $_size__tile_overlayer_lowered;
	s5 =	simm.s32 $_tile_overlayer_lowered  }
0x9b: {  	s22 =	simm.s32 $0x1BFF;
	s21 =	sshll.u32 s5, $0x1;
	s2 =	sadd.s32 s19, s18  }
0x9c: {  	s6 =	simm.s32 $0x0;
	s20 =	sshll.u32 s4, $0x1;
	s4 =	sadd.s32 s21, s2  }
0x9d: {  	[timem:s6], [sflag:s22] =	dma.local [hbm:s4], s20  }
0x9e: {  	_ =	swait.ge [sflag:s22], s20  }
0x9f: {  	s3 =	ssub.s32 $0x0, s20;
	[sflag:s22] =	ssyncset.done $0x0  }
0xa0: {  	[sflag:s22] =	ssyncadd.s32 s3;
	_ =	sdelay $0x1  }
0xa1: {  	s23 =	simm.s32 $0x1B8B  }
0xa2: {  	_ =	swait.ge [sflag:s23], $0x1  }
0xa3: {  	[sflag:s23] =	ssyncset.done $0x0  }
0xa4: {  	s25 =	simm.s32 $0x1B8E;
	s24 =	sld [smem:$0x3FFE];
	[sflag:s23] =	ssyncadd.s32 $0xFFFFFFFF  }
0xa5: {  	s26 =	simm.s32 $execute0_lowered;
	[smem:$0x3FD2] =	sst s25  }
0xa6: {  	s4 =	sshll.u32 s26, $0x1;
	_ =	strace $0x80000049;
	[dreg:$0x1] =	wrdreg $0xFFFFFFFF  }
0xa7: {  	s28 =	simm.s32 $_size_execute0_lowered;
	s2 =	sadd.s32 s2, s4;
	[dreg:$0x0] =	wrdreg $0x0  }
0xa8: {  	s4 =	sshll.u32 s28, $0x1;
	[dreg:$0x2] =	wrdreg s2  }
0xa9: {  	[dreg:$0x3] =	wrdreg s4  }
0xaa: {  	[dreg:$0x4] =	wrdreg $0xC0  }
0xab: {  	_ =	task [dreg:s6], $0x5FFFF  }
0xac: {  	[dreg:$0x1] =	wrdreg $0xFFFFFFFF  }
0xad: {  	[dreg:$0x0] =	wrdreg $0x60  }
0xae: {  	[dreg:$0x2] =	wrdreg s24  }
0xaf: {  	[dreg:$0x3] =	wrdreg $0x41000  }
0xb0: {  	[dreg:$0x4] =	wrdreg $0x9  }
0xb1: {  	_ =	task.clear_ibuf [dreg:s6], $0x5FFFF;
	_ =	strace $0x90000049  }
0xb2: {  	s29 =	simm.s32 $0x9;
	_ =	strace $0x8000004B  }
0xb3: {  	_ =	swait.ge [sflag:s29], $0x1  }
0xb4: {  	[sflag:s29] =	ssyncadd.s32 $0xFFFFFFFF  }
0xb5: {  	_ =	strace $0x9000004B  }
0xb6: {  	_ =	sfence  }
0xb7: {  	s30 =	sld [smem:$0x0];
	_ =	sdelay $0x2  }
0xb8: {  	s31 =	sshll.u32 s1, $0xD;
	s1 =	sshrl.u32 s1, $0x2  }
0xb9: {  	s3 =	sand.u32 $0x4000, s31;
	s1 =	sadd.s32 s1, s30  }
0xba: {  	s0 =	sor.u32 s3, s0;
	s1 =	sshll.u32 s1, $0x11  }
0xbb: {  	s0 =	sor.u32 s1, s0  }
0xbc: {  	s0 =	sadd.s32 $0x8F2B, s0  }
0xbd: {  	[sflag:s0] =	ssyncadd.remote.s32 $0x1  }
0xbe: {  	_ =	sfence.sel $0xFFFF  }
0xbf: {  	[dreg:$0x0] =	wrdreg $0xFFFFFFFF;
	(pc) =	sbr.abs _section_cstart, $3  }
0xc0: {  	[dreg:$0x1] =	wrdreg $0xFFFFFFFF  }
0xc1: {  	_ =	task.clear_ibuf [dreg:s6], $0x2FFFF;
	_ =	strace $0x9FFFFFFF  }
0xc2: {  	(tm) =	ssettm $0x7FFFFFFF  }
0xc3: {  	_ =	shalt  }
tec
execute0_lowered:
.L_overlay_start_1:
0x0: {  	(tag) =	ssettag $0x1  }
0x1: {  	s0 =	srdreg.scid;
	s5 =	rddreg [dreg:$0x0]  }
0x2: {  	s2 =	rddreg [dreg:$0x1];
	s6 =	sand.u32 $0x1, s0  }
0x3: {  	s0 =	stileid.u32;
	s4 =	smul.u32 $0x4E200, s6  }
0x4: {  	s1 =	rddreg [dreg:$0x2];
	s3 =	simm.s32 $0x0;
	s7 =	smul.u32 $0x4E00, s0  }
0x5: {  	s18 =	simm.s32 $0x100;
	s19 =	simm.s32 $0x1;
	s21 =	smul.u32 $0x9C0, s0  }
0x6: {  	[smem:$0x7FF] =	sst s3;
	s14 =	sadd.s32 $0x95E00, s5;
	s9 =	smul.u32 $0x278, s0  }
0x7: {  	s17 =	sadd.s32 $0x128400, s2;
	s11 =	smin.u32 s0, $0x4;
	s22 =	smul.u32 $0x4F000, s0  }
0x8: {  	_ =	strace $0x8000004A;
	s23 =	ssub.s32 $0x2, s6;
	s10 =	smul.u32 $0x2710, s6  }
0x9: {  	s6 =	smul.u32 $0x138800, s6;
	p0 =	slt.u32 s0, $0x4;
	s20 =	sshll.u32 s11, $0x7  }
0xa: {  	s24 =	sshrl.u32 s23, $0x1;
	s30 =	sshll.u32 s11, $0x4;
	s4 =	sadd.s32 s7, s4  }
0xb: {  	s13 =	sadd.s32 s21, s5;
	s15 =	ssub.s32 s23, s24;
	s25 =	sshrl.u32 s22, $0x2  }
0xc: {  	s26 =	sadd.s32 s9, s10;
	s6 =	sshrl.u32 s6, $0x3;
	s7 =	simm.s32 $0x9D  }
0xd: {  	s4 =	sadd.s32 s20, s4;
	s16 =	sadd.s32 s25, s2;
	s28 =	sshll.u32 s26, $0x4  }
0xe: {  	s29 =	sadd.s32 $0x25080, s6;
	s7 =	simm.s32 @!p0 $0x9C;
	s10 =	smax.u32 s15, $0x1  }
0xf: {  	p0 =	seq.s32 s0, $0xF;
	s31 =	sadd.s32 s30, s13;
	s20 =	simm.s32 $0x0  }
0x10: {  	s8 =	sshrl.u32 s4, $0x3;
	s4 =	sadd.s32 $0xC800, s5;
	s9 =	sadd.s32 s14, s29  }
0x11: {  	s13 =	sshrl.u32 @p0 s17, $0x3;
	s15 =	sshrl.u32 @!p0 s16, $0x3;
	s16 =	simm.s32 $0x2  }
0x12: {  	s17 =	simm.s32 $0x80;
	s12 =	sadd.s32 s8, s5;
	s5 =	sadd.s32 s4, s28  }
0x13: {  	s6 =	sadd.s32 s4, s29;
	s8 =	sadd.s32 s14, s28;
	s14 =	sshll.u32 @!p0 s0, $0x6  }
0x14: {  	s11 =	sadd.s32 $0x82400, s12;
	s12 =	sadd.s32 $0x2A00, s31;
	s14 =	sor.u32 @!p0 $0x1C02, s14  }
.LBB2_1:
0x15: {  	s23 =	simm.s32 @p0 $0x1FC2;
	s22 =	simm.s32 @p0 $0x2  }
0x16: {  	[spmem:s13], [sflag:s23] =	dma.local @p0 [hbm:s6], $0x2080  }
0x17: {  	_ =	swait.ge @p0 [sflag:s22], $0x2080  }
0x18: {  	[sflag:s22] =	ssyncset.done @p0 $0x0  }
0x19: {  	s21 =	simm.s32 @!p0 $0x2;
	[sflag:s22] =	ssyncadd.s32 @p0 $0xFFFFDF80  }
0x1a: {  	[spmem:s15], [sflag:s14] =	dma.local @!p0 [hbm:s5], $0x2780  }
0x1b: {  	_ =	swait.ge @!p0 [sflag:s21], $0x2780  }
0x1c: {  	[sflag:s21] =	ssyncset.done @!p0 $0x0  }
0x1d: {  	[sflag:s21] =	ssyncadd.s32 @!p0 $0xFFFFD880  }
0x1e: {  	[bflag:$0x0] =	sbarrier.arrive $0xFFFF  }
0x1f: {  	[tilespmem:s3], [sflag:$0x2] =	stream.linear.gather [hbm4b:s11+s3], $0x80, $0x38;
	[tilespmem:$0x17980] =	vst v63  }
0x20: {  	_ =	swait.ge [sflag:s16], $0x80  }
0x21: {  	[sflag:s16] =	ssyncset.done $0x0  }
0x22: {  	[sflag:s16] =	ssyncadd.s32 $0xFFFFFF80  }
0x23: {  	[tilespmem:s17], [sflag:$0x2] =	stream.linear.gather [hbm4b:s12+s3], $0x80, $0x38;
	[tilespmem:$0x17980] =	vst v63  }
0x24: {  	_ =	swait.ge [sflag:s16], $0x80  }
0x25: {  	[sflag:s16] =	ssyncset.done $0x0  }
0x26: {  	[sflag:s16] =	ssyncadd.s32 $0xFFFFFF80  }
0x27: {  	[tilespmem:s18], [sflag:$0x1] =	stream.indirect.gather [hbm4b:s4+s17], $0x80, s3, s17, $0xb8;
	[tilespmem:$0x17980] =	vst v63  }
0x28: {  	p1 =	sne.s32 s7, $0x1;
	_ =	swait.ge [sflag:s19], $0x4000  }
.Ltmp0:
0x29: {  	[sflag:s19] =	ssyncset.done $0x0;
	(pc) =	sbr.rel @!p1 .LBB2_3-.Ltmp0, $4  }
0x2a: {  	[sflag:s19] =	ssyncadd.s32 $0xFFFFC000  }
0x2b: {  	[spmem:s2] =	stream.indirect.scatter.add.f32 [tilespmem:s18], [sflag:$0x2], $0x80, s17, s17, $0xb8;
	[tilespmem:$0x17980] =	vst v63  }
0x2c: {  	s24 =	sadd.s32 $0xFFFFFFFF, s7;
	_ =	swait.ge [sflag:s16], $0x4000  }
0x2d: {  	s25 =	smov.u32 s11;
	s26 =	smov.u32 s12;
	[sflag:s16] =	ssyncset.done $0x0  }
.LBB2_2:
0x2e: {  	[sflag:s16] =	ssyncadd.s32 $0xFFFFC000;
	s25 =	sadd.s32 $0x10, s25;
	s26 =	sadd.s32 $0x10, s26  }
0x2f: {  	[tilespmem:s3], [sflag:$0x2] =	stream.linear.gather [hbm4b:s25+s3], $0x80, $0x38;
	[tilespmem:$0x17980] =	vst v63  }
0x30: {  	p1 =	sne.s32 s24, $0x1;
	s24 =	sadd.s32 $0xFFFFFFFF, s24;
	_ =	swait.ge [sflag:s16], $0x80  }
0x31: {  	[sflag:s16] =	ssyncset.done $0x0  }
0x32: {  	[sflag:s16] =	ssyncadd.s32 $0xFFFFFF80  }
0x33: {  	[tilespmem:s17], [sflag:$0x2] =	stream.linear.gather [hbm4b:s26+s3], $0x80, $0x38;
	[tilespmem:$0x17980] =	vst v63  }
0x34: {  	_ =	swait.ge [sflag:s16], $0x80  }
0x35: {  	[sflag:s16] =	ssyncset.done $0x0  }
0x36: {  	[sflag:s16] =	ssyncadd.s32 $0xFFFFFF80  }
0x37: {  	[tilespmem:s18], [sflag:$0x1] =	stream.indirect.gather [hbm4b:s4+s17], $0x80, s3, s17, $0xb8;
	[tilespmem:$0x17980] =	vst v63  }
0x38: {  	_ =	swait.ge [sflag:s19], $0x4000  }
.Ltmp1:
0x39: {  	[sflag:s19] =	ssyncset.done $0x0;
	(pc) =	sbr.rel @p1 .LBB2_2-.Ltmp1, $4  }
0x3a: {  	[sflag:s19] =	ssyncadd.s32 $0xFFFFC000  }
0x3b: {  	[spmem:s2] =	stream.indirect.scatter.add.f32 [tilespmem:s18], [sflag:$0x2], $0x80, s17, s17, $0xb8;
	[tilespmem:$0x17980] =	vst v63  }
0x3c: {  	_ =	swait.ge [sflag:s16], $0x4000  }
0x3d: {  	[sflag:s16] =	ssyncset.done $0x0  }
.LBB2_3:
0x3e: {  	[sflag:s16] =	ssyncadd.s32 $0xFFFFC000  }
0x3f: {  	[bflag:$0x0] =	sbarrier.arrive $0xFFFF  }
0x40: {  	[hbm:s9], [sflag:s23] =	dma.local @p0 [spmem:s13], $0x2080  }
0x41: {  	s20 =	sadd.s32 $0x1, s20;
	_ =	swait.ge @p0 [sflag:s22], $0x2080  }
0x42: {  	p1 =	sne.s32 s20, s10;
	[sflag:s22] =	ssyncset.done @p0 $0x0  }
.Ltmp2:
0x43: {  	[sflag:s22] =	ssyncadd.s32 @p0 $0xFFFFDF80;
	(pc) =	sbr.rel @p1 .LBB2_1-.Ltmp2, $4  }
0x44: {  	[hbm:s8], [sflag:s14] =	dma.local @!p0 [spmem:s15], $0x2780  }
0x45: {  	_ =	swait.ge @!p0 [sflag:s21], $0x2780  }
0x46: {  	[sflag:s21] =	ssyncset.done @!p0 $0x0  }
0x47: {  	[sflag:s21] =	ssyncadd.s32 @!p0 $0xFFFFD880  }
0x48: {  	_ =	sfence.sel $0x180000  }
0x49: {  	[bflag:$0x0] =	sbarrier.arrive $0xFFFF  }
0x4a: {  	p0 =	sne.s32 s0, $0x0;
	_ =	strace $0x9000004A  }
0x4b: {  	s0 =	sadd.s32 @!p0 $0x100000, s1;
	[bflag:$0x2] =	sbarrier.arrive $0xFFFF  }
0x4c: {  	[sflag:s0] =	ssyncadd.tile.s32 @!p0 $0x1;
	_ =	shalt  }
.Lfunc_end2:
_tile_overlayer_lowered:
.L_overlay_start_2:
0x4d: {  	(tag) =	ssettag $0x2  }
0x4e: {  	s0 =	rddreg [dreg:$0x0];
	s2 =	stileid.u32  }
0x4f: {  	s1 =	rddreg [dreg:$0x1];
	p0 =	sne.s32 s2, $0x0  }
0x50: {  	s3 =	rddreg [dreg:$0x2];
	[bflag:$0x3] =	sbarrier.arrive $0xFFFF;
	s2 =	simm.s32 @!p0 $0x1C02  }
0x51: {  	[timem:s3], [sflag:s2] =	dma.local @!p0 [hbm:s0], s1  }
0x52: {  	s0 =	simm.s32 @!p0 $0x2  }
0x53: {  	_ =	swait.ge @!p0 [sflag:s0], s1  }
0x54: {  	s1 =	ssub.s32 @!p0 $0x0, s1;
	[sflag:s0] =	ssyncset.done @!p0 $0x0  }
0x55: {  	[sflag:s0] =	ssyncadd.s32 @!p0 s1  }
0x56: {  	[bflag:$0x3] =	sbarrier.arrive $0xFFFF  }
0x57: {  	_ =	shalt  }

// kernel: kernel.14.cloned.1.call-start
scs
__scs_entry_jumppad:
0x0: {  	(pc) =	sbr.rel $0x88, $3  }
0x1: {  	(tag) =	ssettag $0x0;
	lr =	simm.s32 $0x1  }
0x2: {  	[smem:$0x3F93] =	sst lr;
	_ =	strace $0xD0000000  }
0x3: {  	_ = 	snop  }
0x4: {  	_ = 	snop  }
0x5: {  	_ = 	snop  }
0x6: {  	_ = 	snop  }
0x7: {  	_ = 	snop  }
__scs_overlays_trampoline_lowered:
0x8: {  	[smem:$0x3FA2] =	sst s0  }
0x9: {  	[smem:$0x3FA3] =	sst s1  }
0xa: {  	[smem:$0x3FA4] =	sst s2  }
0xb: {  	[smem:$0x3FA5] =	sst s3  }
0xc: {  	[smem:$0x3FA6] =	sst s4  }
0xd: {  	[smem:$0x3FA7] =	sst s5  }
0xe: {  	[smem:$0x3FA8] =	sst s6  }
0xf: {  	[smem:$0x3FA9] =	sst s7  }
0x10: {  	[smem:$0x3FAA] =	sst s8  }
0x11: {  	[smem:$0x3FAB] =	sst s9;
	s0 =	simm.s32 @!p0 $0x0  }
0x12: {  	s1 =	sld [smem:$0x3F91];
	s0 =	simm.s32 @p0 $0x1  }
0x13: {  	[smem:$0x3FAC] =	sst s0;
	s0 =	simm.s32 @!p1 $0x0  }
0x14: {  	s2 =	sld [smem:$0x3F90];
	s0 =	simm.s32 @p1 $0x1  }
0x15: {  	[smem:$0x3FAD] =	sst s0;
	s0 =	simm.s32 @!p2 $0x0  }
0x16: {  	s3 =	sld [smem:$0x3FDB];
	s0 =	simm.s32 @p2 $0x1  }
0x17: {  	s4 =	simm.s32 $0x1BF5;
	[smem:$0x3FAF] =	sst s0  }
0x18: {  	s0 =	sld [smem:$0x3F92];
	_ =	swait.ge [sflag:s4], $0x0  }
0x19: {  	s7 =	sld [smem:$0x3F93]  }
0x1a: {  	s8 =	sadd.s32 $0xFFFFE003, lr  }
0x1b: {  	s9 =	sadd.s32 $0xFFFFFEF7, lr;
	s5 =	simm.s32 $0xFFFFFFFF;
	p2 =	slt.u32 s8, $0xFFFFF086  }
0x1c: {  	p1 =	slt.u32 s9, $0xF7A;
	s5 =	simm.s32 @!p2 $0x0  }
0x1d: {  	s5 =	simm.s32 @p1 $0x1;
	p0 =	seq.s32 s7, s2  }
0x1e: {  	s7 =	smul.u32 @!p0 $0xF7A, s2;
	p2 =	seq.s32 @!p0 s5, $0x0  }
0x1f: {  	s9 =	smul.u32 $0xF7A, s1;
	s8 =	simm.s32 @!p0 $0x1BF5;
	p2 =	por !p2, p0  }
0x20: {  	[sflag:s8] =	ssyncset.s32 @!p0 $0xFFFFF086;
	s6 =	sadd.s32 @!p0 s3, s7;
	s7 =	simm.s32 @!p0 $0x108  }
0x21: {  	s3 =	sadd.s32 s3, s9;
	s6 =	sadd.s32 @!p0 $0x88, s6;
	s7 =	simm.s32 @p2 $0x1082  }
0x22: {  	[simem:s7], [sflag:s8] =	dma.local @!p0 [hbm:s6], $0xF7A  }
0x23: {  	s9 =	sor.u32 $0xD0000000, s2;
	s6 =	simm.s32 $0x108;
	_ =	swait.ge @!p0 [sflag:s8], $0x0  }
0x24: {  	s3 =	sadd.s32 $0x88, s3;
	s6 =	simm.s32 @!p1 $0x1082;
	[sflag:s4] =	ssyncset.s32 $0xFFFFF086  }
0x25: {  	[simem:s6], [sflag:s4] =	dma.local [hbm:s3], $0xF7A  }
0x26: {  	[smem:$0x3F93] =	sst s1;
	(tag) =	ssettag s2;
	_ =	strace s9  }
0x27: {  	s1 =	sld [smem:$0x3FA3]  }
0x28: {  	s2 =	sld [smem:$0x3FA4]  }
0x29: {  	s4 =	sld [smem:$0x3FA6]  }
0x2a: {  	p0 =	seq.s32 s5, $0x0;
	s5 =	sld [smem:$0x3FA7]  }
0x2b: {  	s6 =	sld [smem:$0x3FA8]  }
0x2c: {  	s7 =	sld [smem:$0x3FA9]  }
0x2d: {  	s3 =	simm.s32 $0x108;
	s8 =	sld [smem:$0x3FAA]  }
0x2e: {  	s3 =	simm.s32 @!p0 $0x1082;
	s9 =	sld [smem:$0x3FAB]  }
0x2f: {  	lr =	sadd.s32 s0, s3;
	s0 =	sld [smem:$0x3FA2]  }
0x30: {  	s3 =	sld [smem:$0x3FA5]  }
0x31: {  	[smem:$0x3FAE] =	sst s10  }
0x32: {  	s10 =	sld [smem:$0x3FAC];
	_ =	sdelay $0x3  }
0x33: {  	p0 =	seq.s32 s10, $0x1;
	s10 =	sld [smem:$0x3FAE];
	_ =	sdelay $0x3  }
0x34: {  	[smem:$0x3FAE] =	sst s10  }
0x35: {  	s10 =	sld [smem:$0x3FAD];
	_ =	sdelay $0x3  }
0x36: {  	p1 =	seq.s32 s10, $0x1;
	s10 =	sld [smem:$0x3FAE];
	_ =	sdelay $0x3  }
0x37: {  	[smem:$0x3FAE] =	sst s10  }
0x38: {  	s10 =	sld [smem:$0x3FAF]  }
0x39: {  	_ = 	snop;
	(pc) =	sbr.ind lr, $3  }
0x3a: {  	_ = 	snop  }
0x3b: {  	_ = 	snop  }
0x3c: {  	p2 =	seq.s32 s10, $0x1;
	s10 =	sld [smem:$0x3FAE]  }
0x3d: {  	_ =	shalt  }
0x3e: {  	_ =	shalt  }
0x3f: {  	_ =	shalt  }
0x40: {  	_ =	shalt  }
0x41: {  	_ =	shalt  }
0x42: {  	_ =	shalt  }
0x43: {  	_ =	shalt  }
0x44: {  	_ =	shalt  }
0x45: {  	_ =	shalt  }
0x46: {  	_ =	shalt  }
0x47: {  	_ =	shalt  }
0x48: {  	_ =	shalt  }
0x49: {  	_ =	shalt  }
0x4a: {  	_ =	shalt  }
0x4b: {  	_ =	shalt  }
0x4c: {  	_ =	shalt  }
0x4d: {  	_ =	shalt  }
0x4e: {  	_ =	shalt  }
0x4f: {  	_ =	shalt  }
0x50: {  	_ =	shalt  }
0x51: {  	_ =	shalt  }
0x52: {  	_ =	shalt  }
0x53: {  	_ =	shalt  }
0x54: {  	_ =	shalt  }
0x55: {  	_ =	shalt  }
0x56: {  	_ =	shalt  }
0x57: {  	_ =	shalt  }
0x58: {  	_ =	shalt  }
0x59: {  	_ =	shalt  }
0x5a: {  	_ =	shalt  }
0x5b: {  	_ =	shalt  }
0x5c: {  	_ =	shalt  }
0x5d: {  	_ =	shalt  }
0x5e: {  	_ =	shalt  }
0x5f: {  	_ =	shalt  }
0x60: {  	_ =	shalt  }
0x61: {  	_ =	shalt  }
0x62: {  	_ =	shalt  }
0x63: {  	_ =	shalt  }
0x64: {  	_ =	shalt  }
0x65: {  	_ =	shalt  }
0x66: {  	_ =	shalt  }
0x67: {  	_ =	shalt  }
0x68: {  	_ =	shalt  }
0x69: {  	_ =	shalt  }
0x6a: {  	_ =	shalt  }
0x6b: {  	_ =	shalt  }
0x6c: {  	_ =	shalt  }
0x6d: {  	_ =	shalt  }
0x6e: {  	_ =	shalt  }
0x6f: {  	_ =	shalt  }
0x70: {  	_ =	shalt  }
0x71: {  	_ =	shalt  }
0x72: {  	_ =	shalt  }
0x73: {  	_ =	shalt  }
0x74: {  	_ =	shalt  }
0x75: {  	_ =	shalt  }
0x76: {  	_ =	shalt  }
0x77: {  	_ =	shalt  }
0x78: {  	_ =	shalt  }
0x79: {  	_ =	shalt  }
0x7a: {  	_ =	shalt  }
0x7b: {  	_ =	shalt  }
0x7c: {  	_ =	shalt  }
0x7d: {  	_ =	shalt  }
0x7e: {  	_ =	shalt  }
0x7f: {  	_ =	shalt  }
0x80: {  	_ =	shalt  }
0x81: {  	_ =	shalt  }
0x82: {  	_ =	shalt  }
0x83: {  	_ =	shalt  }
0x84: {  	_ =	shalt  }
0x85: {  	_ =	shalt  }
0x86: {  	_ =	shalt  }
0x87: {  	_ =	shalt  }
.Lfunc_end0:
.L_simem_size_0:
called_computation.2_lowered:
.L_overlay_start_0:
0x88: {  	s2 =	sld [smem:$0x3FD9]  }
0x89: {  	s3 =	sld [smem:$0x3FFE];
	_ =	sdelay $0x1  }
0x8a: {  	s1 =	srdreg.scid  }
0x8b: {  	s0 =	sand.u32 $0x1, s1  }
0x8c: {  	s16 =	sshll.u32 s0, $0xA;
	s2 =	sadd.s32 s3, s2  }
0x8d: {  	s2 =	sadd.s32 s2, s16  }
0x8e: {  	[smem:$0x3FBA] =	sst s2  }
0x8f: {  	_ = 	snop  }
0x90: {  	(tm) =	ssettm $0x1  }
0x91: {  	s17 =	sld [smem:$0x3FFB];
	_ =	sdelay $0x3  }
0x92: {  	_ =	strace s17  }
0x93: {  	s2 =	sld [smem:$0x3FFC];
	_ =	sdelay $0x3  }
0x94: {  	_ =	strace s2  }
0x95: {  	s2 =	sld [smem:$0x3FFD];
	_ =	sdelay $0x3  }
0x96: {  	_ =	strace s2  }
0x97: {  	_ =	strace $0x8FFFFFFF  }
0x98: {  	s18 =	sld [smem:$0x3FDB];
	_ =	sdelay $0x1  }
0x99: {  	s19 =	simm.s32 $_scs_section_size  }
0x9a: {  	s4 =	simm.s32 $_size__tile_overlayer_lowered;
	s5 =	simm.s32 $_tile_overlayer_lowered  }
0x9b: {  	s22 =	simm.s32 $0x1BFF;
	s21 =	sshll.u32 s5, $0x1;
	s2 =	sadd.s32 s19, s18  }
0x9c: {  	s6 =	simm.s32 $0x0;
	s20 =	sshll.u32 s4, $0x1;
	s4 =	sadd.s32 s21, s2  }
0x9d: {  	[timem:s6], [sflag:s22] =	dma.local [hbm:s4], s20  }
0x9e: {  	_ =	swait.ge [sflag:s22], s20  }
0x9f: {  	s3 =	ssub.s32 $0x0, s20;
	[sflag:s22] =	ssyncset.done $0x0  }
0xa0: {  	[sflag:s22] =	ssyncadd.s32 s3;
	_ =	sdelay $0x1  }
0xa1: {  	s23 =	simm.s32 $0x1B8B  }
0xa2: {  	_ =	swait.ge [sflag:s23], $0x1  }
0xa3: {  	[sflag:s23] =	ssyncset.done $0x0  }
0xa4: {  	s25 =	simm.s32 $0x1B8E;
	s24 =	sld [smem:$0x3FFE];
	[sflag:s23] =	ssyncadd.s32 $0xFFFFFFFF  }
0xa5: {  	s26 =	simm.s32 $execute0_lowered;
	[smem:$0x3FD2] =	sst s25  }
0xa6: {  	s4 =	sshll.u32 s26, $0x1;
	_ =	strace $0x8000004C;
	[dreg:$0x1] =	wrdreg $0xFFFFFFFF  }
0xa7: {  	s28 =	simm.s32 $_size_execute0_lowered;
	s2 =	sadd.s32 s2, s4;
	[dreg:$0x0] =	wrdreg $0x0  }
0xa8: {  	s4 =	sshll.u32 s28, $0x1;
	[dreg:$0x2] =	wrdreg s2  }
0xa9: {  	[dreg:$0x3] =	wrdreg s4  }
0xaa: {  	[dreg:$0x4] =	wrdreg $0xC0  }
0xab: {  	_ =	task [dreg:s6], $0x5FFFF  }
0xac: {  	[dreg:$0x1] =	wrdreg $0xFFFFFFFF  }
0xad: {  	[dreg:$0x0] =	wrdreg $0x60  }
0xae: {  	[dreg:$0x2] =	wrdreg s24  }
0xaf: {  	[dreg:$0x3] =	wrdreg $0x41000  }
0xb0: {  	[dreg:$0x4] =	wrdreg $0x9  }
0xb1: {  	_ =	task.clear_ibuf [dreg:s6], $0x5FFFF;
	_ =	strace $0x9000004C  }
0xb2: {  	s29 =	simm.s32 $0x9;
	_ =	strace $0x8000004E  }
0xb3: {  	_ =	swait.ge [sflag:s29], $0x1  }
0xb4: {  	[sflag:s29] =	ssyncadd.s32 $0xFFFFFFFF  }
0xb5: {  	_ =	strace $0x9000004E  }
0xb6: {  	_ =	sfence  }
0xb7: {  	s30 =	sld [smem:$0x0];
	_ =	sdelay $0x2  }
0xb8: {  	s31 =	sshll.u32 s1, $0xD;
	s1 =	sshrl.u32 s1, $0x2  }
0xb9: {  	s3 =	sand.u32 $0x4000, s31;
	s1 =	sadd.s32 s1, s30  }
0xba: {  	s0 =	sor.u32 s3, s0;
	s1 =	sshll.u32 s1, $0x11  }
0xbb: {  	s0 =	sor.u32 s1, s0  }
0xbc: {  	s0 =	sadd.s32 $0x8F2B, s0  }
0xbd: {  	[sflag:s0] =	ssyncadd.remote.s32 $0x1  }
0xbe: {  	_ =	sfence.sel $0xFFFF  }
0xbf: {  	[dreg:$0x0] =	wrdreg $0xFFFFFFFF;
	(pc) =	sbr.abs _section_cstart, $3  }
0xc0: {  	[dreg:$0x1] =	wrdreg $0xFFFFFFFF  }
0xc1: {  	_ =	task.clear_ibuf [dreg:s6], $0x2FFFF;
	_ =	strace $0x9FFFFFFF  }
0xc2: {  	(tm) =	ssettm $0x7FFFFFFF  }
0xc3: {  	_ =	shalt  }
tec
execute0_lowered:
.L_overlay_start_1:
0x0: {  	(tag) =	ssettag $0x1  }
0x1: {  	s0 =	srdreg.scid;
	s5 =	rddreg [dreg:$0x0]  }
0x2: {  	s2 =	rddreg [dreg:$0x1];
	s6 =	sand.u32 $0x1, s0  }
0x3: {  	s0 =	stileid.u32;
	s4 =	smul.u32 $0x4E200, s6  }
0x4: {  	s1 =	rddreg [dreg:$0x2];
	s3 =	simm.s32 $0x0;
	s7 =	smul.u32 $0x4E00, s0  }
0x5: {  	s18 =	simm.s32 $0x100;
	s19 =	simm.s32 $0x1;
	s21 =	smul.u32 $0x9C0, s0  }
0x6: {  	[smem:$0x7FF] =	sst s3;
	s14 =	sadd.s32 $0x95E00, s5;
	s9 =	smul.u32 $0x278, s0  }
0x7: {  	s17 =	sadd.s32 $0x128400, s2;
	s11 =	smin.u32 s0, $0x4;
	s22 =	smul.u32 $0x4F000, s0  }
0x8: {  	_ =	strace $0x8000004D;
	s23 =	ssub.s32 $0x2, s6;
	s10 =	smul.u32 $0x2710, s6  }
0x9: {  	s6 =	smul.u32 $0x138800, s6;
	p0 =	slt.u32 s0, $0x4;
	s20 =	sshll.u32 s11, $0x7  }
0xa: {  	s24 =	sshrl.u32 s23, $0x1;
	s30 =	sshll.u32 s11, $0x4;
	s4 =	sadd.s32 s7, s4  }
0xb: {  	s13 =	sadd.s32 s21, s5;
	s15 =	ssub.s32 s23, s24;
	s25 =	sshrl.u32 s22, $0x2  }
0xc: {  	s26 =	sadd.s32 s9, s10;
	s6 =	sshrl.u32 s6, $0x3;
	s7 =	simm.s32 $0x9D  }
0xd: {  	s4 =	sadd.s32 s20, s4;
	s16 =	sadd.s32 s25, s2;
	s28 =	sshll.u32 s26, $0x4  }
0xe: {  	s29 =	sadd.s32 $0x25080, s6;
	s7 =	simm.s32 @!p0 $0x9C;
	s10 =	smax.u32 s15, $0x1  }
0xf: {  	p0 =	seq.s32 s0, $0xF;
	s31 =	sadd.s32 s30, s13;
	s20 =	simm.s32 $0x0  }
0x10: {  	s8 =	sshrl.u32 s4, $0x3;
	s4 =	sadd.s32 $0xC800, s5;
	s9 =	sadd.s32 s14, s29  }
0x11: {  	s13 =	sshrl.u32 @p0 s17, $0x3;
	s15 =	sshrl.u32 @!p0 s16, $0x3;
	s16 =	simm.s32 $0x2  }
0x12: {  	s17 =	simm.s32 $0x80;
	s12 =	sadd.s32 s8, s5;
	s5 =	sadd.s32 s4, s28  }
0x13: {  	s6 =	sadd.s32 s4, s29;
	s8 =	sadd.s32 s14, s28;
	s14 =	sshll.u32 @!p0 s0, $0x6  }
0x14: {  	s11 =	sadd.s32 $0x82400, s12;
	s12 =	sadd.s32 $0x2A00, s31;
	s14 =	sor.u32 @!p0 $0x1C02, s14  }
.LBB2_1:
0x15: {  	s23 =	simm.s32 @p0 $0x1FC2;
	s22 =	simm.s32 @p0 $0x2  }
0x16: {  	[spmem:s13], [sflag:s23] =	dma.local @p0 [hbm:s6], $0x2080  }
0x17: {  	_ =	swait.ge @p0 [sflag:s22], $0x2080  }
0x18: {  	[sflag:s22] =	ssyncset.done @p0 $0x0  }
0x19: {  	s21 =	simm.s32 @!p0 $0x2;
	[sflag:s22] =	ssyncadd.s32 @p0 $0xFFFFDF80  }
0x1a: {  	[spmem:s15], [sflag:s14] =	dma.local @!p0 [hbm:s5], $0x2780  }
0x1b: {  	_ =	swait.ge @!p0 [sflag:s21], $0x2780  }
0x1c: {  	[sflag:s21] =	ssyncset.done @!p0 $0x0  }
0x1d: {  	[sflag:s21] =	ssyncadd.s32 @!p0 $0xFFFFD880  }
0x1e: {  	[bflag:$0x0] =	sbarrier.arrive $0xFFFF  }
0x1f: {  	[tilespmem:s3], [sflag:$0x2] =	stream.linear.gather [hbm4b:s11+s3], $0x80, $0x38;
	[tilespmem:$0x17980] =	vst v63  }
0x20: {  	_ =	swait.ge [sflag:s16], $0x80  }
0x21: {  	[sflag:s16] =	ssyncset.done $0x0  }
0x22: {  	[sflag:s16] =	ssyncadd.s32 $0xFFFFFF80  }
0x23: {  	[tilespmem:s17], [sflag:$0x2] =	stream.linear.gather [hbm4b:s12+s3], $0x80, $0x38;
	[tilespmem:$0x17980] =	vst v63  }
0x24: {  	_ =	swait.ge [sflag:s16], $0x80  }
0x25: {  	[sflag:s16] =	ssyncset.done $0x0  }
0x26: {  	[sflag:s16] =	ssyncadd.s32 $0xFFFFFF80  }
0x27: {  	[tilespmem:s18], [sflag:$0x1] =	stream.indirect.gather [hbm4b:s4+s17], $0x80, s3, s17, $0xb8;
	[tilespmem:$0x17980] =	vst v63  }
0x28: {  	p1 =	sne.s32 s7, $0x1;
	_ =	swait.ge [sflag:s19], $0x4000  }
.Ltmp0:
0x29: {  	[sflag:s19] =	ssyncset.done $0x0;
	(pc) =	sbr.rel @!p1 .LBB2_3-.Ltmp0, $4  }
0x2a: {  	[sflag:s19] =	ssyncadd.s32 $0xFFFFC000  }
0x2b: {  	[spmem:s2] =	stream.indirect.scatter.add.f32 [tilespmem:s18], [sflag:$0x2], $0x80, s17, s17, $0xb8;
	[tilespmem:$0x17980] =	vst v63  }
0x2c: {  	s24 =	sadd.s32 $0xFFFFFFFF, s7;
	_ =	swait.ge [sflag:s16], $0x4000  }
0x2d: {  	s25 =	smov.u32 s11;
	s26 =	smov.u32 s12;
	[sflag:s16] =	ssyncset.done $0x0  }
.LBB2_2:
0x2e: {  	[sflag:s16] =	ssyncadd.s32 $0xFFFFC000;
	s25 =	sadd.s32 $0x10, s25;
	s26 =	sadd.s32 $0x10, s26  }
0x2f: {  	[tilespmem:s3], [sflag:$0x2] =	stream.linear.gather [hbm4b:s25+s3], $0x80, $0x38;
	[tilespmem:$0x17980] =	vst v63  }
0x30: {  	p1 =	sne.s32 s24, $0x1;
	s24 =	sadd.s32 $0xFFFFFFFF, s24;
	_ =	swait.ge [sflag:s16], $0x80  }
0x31: {  	[sflag:s16] =	ssyncset.done $0x0  }
0x32: {  	[sflag:s16] =	ssyncadd.s32 $0xFFFFFF80  }
0x33: {  	[tilespmem:s17], [sflag:$0x2] =	stream.linear.gather [hbm4b:s26+s3], $0x80, $0x38;
	[tilespmem:$0x17980] =	vst v63  }
0x34: {  	_ =	swait.ge [sflag:s16], $0x80  }
0x35: {  	[sflag:s16] =	ssyncset.done $0x0  }
0x36: {  	[sflag:s16] =	ssyncadd.s32 $0xFFFFFF80  }
0x37: {  	[tilespmem:s18], [sflag:$0x1] =	stream.indirect.gather [hbm4b:s4+s17], $0x80, s3, s17, $0xb8;
	[tilespmem:$0x17980] =	vst v63  }
0x38: {  	_ =	swait.ge [sflag:s19], $0x4000  }
.Ltmp1:
0x39: {  	[sflag:s19] =	ssyncset.done $0x0;
	(pc) =	sbr.rel @p1 .LBB2_2-.Ltmp1, $4  }
0x3a: {  	[sflag:s19] =	ssyncadd.s32 $0xFFFFC000  }
0x3b: {  	[spmem:s2] =	stream.indirect.scatter.add.f32 [tilespmem:s18], [sflag:$0x2], $0x80, s17, s17, $0xb8;
	[tilespmem:$0x17980] =	vst v63  }
0x3c: {  	_ =	swait.ge [sflag:s16], $0x4000  }
0x3d: {  	[sflag:s16] =	ssyncset.done $0x0  }
.LBB2_3:
0x3e: {  	[sflag:s16] =	ssyncadd.s32 $0xFFFFC000  }
0x3f: {  	[bflag:$0x0] =	sbarrier.arrive $0xFFFF  }
0x40: {  	[hbm:s9], [sflag:s23] =	dma.local @p0 [spmem:s13], $0x2080  }
0x41: {  	s20 =	sadd.s32 $0x1, s20;
	_ =	swait.ge @p0 [sflag:s22], $0x2080  }
0x42: {  	p1 =	sne.s32 s20, s10;
	[sflag:s22] =	ssyncset.done @p0 $0x0  }
.Ltmp2:
0x43: {  	[sflag:s22] =	ssyncadd.s32 @p0 $0xFFFFDF80;
	(pc) =	sbr.rel @p1 .LBB2_1-.Ltmp2, $4  }
0x44: {  	[hbm:s8], [sflag:s14] =	dma.local @!p0 [spmem:s15], $0x2780  }
0x45: {  	_ =	swait.ge @!p0 [sflag:s21], $0x2780  }
0x46: {  	[sflag:s21] =	ssyncset.done @!p0 $0x0  }
0x47: {  	[sflag:s21] =	ssyncadd.s32 @!p0 $0xFFFFD880  }
0x48: {  	_ =	sfence.sel $0x180000  }
0x49: {  	[bflag:$0x0] =	sbarrier.arrive $0xFFFF  }
0x4a: {  	p0 =	sne.s32 s0, $0x0;
	_ =	strace $0x9000004D  }
0x4b: {  	s0 =	sadd.s32 @!p0 $0x100000, s1;
	[bflag:$0x2] =	sbarrier.arrive $0xFFFF  }
0x4c: {  	[sflag:s0] =	ssyncadd.tile.s32 @!p0 $0x1;
	_ =	shalt  }
.Lfunc_end2:
_tile_overlayer_lowered:
.L_overlay_start_2:
0x4d: {  	(tag) =	ssettag $0x2  }
0x4e: {  	s0 =	rddreg [dreg:$0x0];
	s2 =	stileid.u32  }
0x4f: {  	s1 =	rddreg [dreg:$0x1];
	p0 =	sne.s32 s2, $0x0  }
0x50: {  	s3 =	rddreg [dreg:$0x2];
	[bflag:$0x3] =	sbarrier.arrive $0xFFFF;
	s2 =	simm.s32 @!p0 $0x1C02  }
0x51: {  	[timem:s3], [sflag:s2] =	dma.local @!p0 [hbm:s0], s1  }
0x52: {  	s0 =	simm.s32 @!p0 $0x2  }
0x53: {  	_ =	swait.ge @!p0 [sflag:s0], s1  }
0x54: {  	s1 =	ssub.s32 @!p0 $0x0, s1;
	[sflag:s0] =	ssyncset.done @!p0 $0x0  }
0x55: {  	[sflag:s0] =	ssyncadd.s32 @!p0 s1  }
0x56: {  	[bflag:$0x3] =	sbarrier.arrive $0xFFFF  }
0x57: {  	_ =	shalt  }

// kernel: kernel.8.cloned.1.call-start
scs
__scs_entry_jumppad:
0x0: {  	(pc) =	sbr.rel $0x88, $3  }
0x1: {  	(tag) =	ssettag $0x0;
	lr =	simm.s32 $0x1  }
0x2: {  	[smem:$0x3F93] =	sst lr;
	_ =	strace $0xD0000000  }
0x3: {  	_ = 	snop  }
0x4: {  	_ = 	snop  }
0x5: {  	_ = 	snop  }
0x6: {  	_ = 	snop  }
0x7: {  	_ = 	snop  }
__scs_overlays_trampoline_lowered:
0x8: {  	[smem:$0x3FA2] =	sst s0  }
0x9: {  	[smem:$0x3FA3] =	sst s1  }
0xa: {  	[smem:$0x3FA4] =	sst s2  }
0xb: {  	[smem:$0x3FA5] =	sst s3  }
0xc: {  	[smem:$0x3FA6] =	sst s4  }
0xd: {  	[smem:$0x3FA7] =	sst s5  }
0xe: {  	[smem:$0x3FA8] =	sst s6  }
0xf: {  	[smem:$0x3FA9] =	sst s7  }
0x10: {  	[smem:$0x3FAA] =	sst s8  }
0x11: {  	[smem:$0x3FAB] =	sst s9;
	s0 =	simm.s32 @!p0 $0x0  }
0x12: {  	s1 =	sld [smem:$0x3F91];
	s0 =	simm.s32 @p0 $0x1  }
0x13: {  	[smem:$0x3FAC] =	sst s0;
	s0 =	simm.s32 @!p1 $0x0  }
0x14: {  	s2 =	sld [smem:$0x3F90];
	s0 =	simm.s32 @p1 $0x1  }
0x15: {  	[smem:$0x3FAD] =	sst s0;
	s0 =	simm.s32 @!p2 $0x0  }
0x16: {  	s3 =	sld [smem:$0x3FDB];
	s0 =	simm.s32 @p2 $0x1  }
0x17: {  	s4 =	simm.s32 $0x1BF5;
	[smem:$0x3FAF] =	sst s0  }
0x18: {  	s0 =	sld [smem:$0x3F92];
	_ =	swait.ge [sflag:s4], $0x0  }
0x19: {  	s7 =	sld [smem:$0x3F93]  }
0x1a: {  	s8 =	sadd.s32 $0xFFFFE003, lr  }
0x1b: {  	s9 =	sadd.s32 $0xFFFFFEF7, lr;
	s5 =	simm.s32 $0xFFFFFFFF;
	p2 =	slt.u32 s8, $0xFFFFF086  }
0x1c: {  	p1 =	slt.u32 s9, $0xF7A;
	s5 =	simm.s32 @!p2 $0x0  }
0x1d: {  	s5 =	simm.s32 @p1 $0x1;
	p0 =	seq.s32 s7, s2  }
0x1e: {  	s7 =	smul.u32 @!p0 $0xF7A, s2;
	p2 =	seq.s32 @!p0 s5, $0x0  }
0x1f: {  	s9 =	smul.u32 $0xF7A, s1;
	s8 =	simm.s32 @!p0 $0x1BF5;
	p2 =	por !p2, p0  }
0x20: {  	[sflag:s8] =	ssyncset.s32 @!p0 $0xFFFFF086;
	s6 =	sadd.s32 @!p0 s3, s7;
	s7 =	simm.s32 @!p0 $0x108  }
0x21: {  	s3 =	sadd.s32 s3, s9;
	s6 =	sadd.s32 @!p0 $0x88, s6;
	s7 =	simm.s32 @p2 $0x1082  }
0x22: {  	[simem:s7], [sflag:s8] =	dma.local @!p0 [hbm:s6], $0xF7A  }
0x23: {  	s9 =	sor.u32 $0xD0000000, s2;
	s6 =	simm.s32 $0x108;
	_ =	swait.ge @!p0 [sflag:s8], $0x0  }
0x24: {  	s3 =	sadd.s32 $0x88, s3;
	s6 =	simm.s32 @!p1 $0x1082;
	[sflag:s4] =	ssyncset.s32 $0xFFFFF086  }
0x25: {  	[simem:s6], [sflag:s4] =	dma.local [hbm:s3], $0xF7A  }
0x26: {  	[smem:$0x3F93] =	sst s1;
	(tag) =	ssettag s2;
	_ =	strace s9  }
0x27: {  	s1 =	sld [smem:$0x3FA3]  }
0x28: {  	s2 =	sld [smem:$0x3FA4]  }
0x29: {  	s4 =	sld [smem:$0x3FA6]  }
0x2a: {  	p0 =	seq.s32 s5, $0x0;
	s5 =	sld [smem:$0x3FA7]  }
0x2b: {  	s6 =	sld [smem:$0x3FA8]  }
0x2c: {  	s7 =	sld [smem:$0x3FA9]  }
0x2d: {  	s3 =	simm.s32 $0x108;
	s8 =	sld [smem:$0x3FAA]  }
0x2e: {  	s3 =	simm.s32 @!p0 $0x1082;
	s9 =	sld [smem:$0x3FAB]  }
0x2f: {  	lr =	sadd.s32 s0, s3;
	s0 =	sld [smem:$0x3FA2]  }
0x30: {  	s3 =	sld [smem:$0x3FA5]  }
0x31: {  	[smem:$0x3FAE] =	sst s10  }
0x32: {  	s10 =	sld [smem:$0x3FAC];
	_ =	sdelay $0x3  }
0x33: {  	p0 =	seq.s32 s10, $0x1;
	s10 =	sld [smem:$0x3FAE];
	_ =	sdelay $0x3  }
0x34: {  	[smem:$0x3FAE] =	sst s10  }
0x35: {  	s10 =	sld [smem:$0x3FAD];
	_ =	sdelay $0x3  }
0x36: {  	p1 =	seq.s32 s10, $0x1;
	s10 =	sld [smem:$0x3FAE];
	_ =	sdelay $0x3  }
0x37: {  	[smem:$0x3FAE] =	sst s10  }
0x38: {  	s10 =	sld [smem:$0x3FAF]  }
0x39: {  	_ = 	snop;
	(pc) =	sbr.ind lr, $3  }
0x3a: {  	_ = 	snop  }
0x3b: {  	_ = 	snop  }
0x3c: {  	p2 =	seq.s32 s10, $0x1;
	s10 =	sld [smem:$0x3FAE]  }
0x3d: {  	_ =	shalt  }
0x3e: {  	_ =	shalt  }
0x3f: {  	_ =	shalt  }
0x40: {  	_ =	shalt  }
0x41: {  	_ =	shalt  }
0x42: {  	_ =	shalt  }
0x43: {  	_ =	shalt  }
0x44: {  	_ =	shalt  }
0x45: {  	_ =	shalt  }
0x46: {  	_ =	shalt  }
0x47: {  	_ =	shalt  }
0x48: {  	_ =	shalt  }
0x49: {  	_ =	shalt  }
0x4a: {  	_ =	shalt  }
0x4b: {  	_ =	shalt  }
0x4c: {  	_ =	shalt  }
0x4d: {  	_ =	shalt  }
0x4e: {  	_ =	shalt  }
0x4f: {  	_ =	shalt  }
0x50: {  	_ =	shalt  }
0x51: {  	_ =	shalt  }
0x52: {  	_ =	shalt  }
0x53: {  	_ =	shalt  }
0x54: {  	_ =	shalt  }
0x55: {  	_ =	shalt  }
0x56: {  	_ =	shalt  }
0x57: {  	_ =	shalt  }
0x58: {  	_ =	shalt  }
0x59: {  	_ =	shalt  }
0x5a: {  	_ =	shalt  }
0x5b: {  	_ =	shalt  }
0x5c: {  	_ =	shalt  }
0x5d: {  	_ =	shalt  }
0x5e: {  	_ =	shalt  }
0x5f: {  	_ =	shalt  }
0x60: {  	_ =	shalt  }
0x61: {  	_ =	shalt  }
0x62: {  	_ =	shalt  }
0x63: {  	_ =	shalt  }
0x64: {  	_ =	shalt  }
0x65: {  	_ =	shalt  }
0x66: {  	_ =	shalt  }
0x67: {  	_ =	shalt  }
0x68: {  	_ =	shalt  }
0x69: {  	_ =	shalt  }
0x6a: {  	_ =	shalt  }
0x6b: {  	_ =	shalt  }
0x6c: {  	_ =	shalt  }
0x6d: {  	_ =	shalt  }
0x6e: {  	_ =	shalt  }
0x6f: {  	_ =	shalt  }
0x70: {  	_ =	shalt  }
0x71: {  	_ =	shalt  }
0x72: {  	_ =	shalt  }
0x73: {  	_ =	shalt  }
0x74: {  	_ =	shalt  }
0x75: {  	_ =	shalt  }
0x76: {  	_ =	shalt  }
0x77: {  	_ =	shalt  }
0x78: {  	_ =	shalt  }
0x79: {  	_ =	shalt  }
0x7a: {  	_ =	shalt  }
0x7b: {  	_ =	shalt  }
0x7c: {  	_ =	shalt  }
0x7d: {  	_ =	shalt  }
0x7e: {  	_ =	shalt  }
0x7f: {  	_ =	shalt  }
0x80: {  	_ =	shalt  }
0x81: {  	_ =	shalt  }
0x82: {  	_ =	shalt  }
0x83: {  	_ =	shalt  }
0x84: {  	_ =	shalt  }
0x85: {  	_ =	shalt  }
0x86: {  	_ =	shalt  }
0x87: {  	_ =	shalt  }
.Lfunc_end0:
.L_simem_size_0:
called_computation_lowered:
.L_overlay_start_0:
0x88: {  	s2 =	sld [smem:$0x3FD9]  }
0x89: {  	s3 =	sld [smem:$0x3FFE];
	_ =	sdelay $0x1  }
0x8a: {  	s1 =	srdreg.scid  }
0x8b: {  	s0 =	sand.u32 $0x1, s1  }
0x8c: {  	s16 =	sshll.u32 s0, $0xA;
	s2 =	sadd.s32 s3, s2  }
0x8d: {  	s2 =	sadd.s32 s2, s16  }
0x8e: {  	[smem:$0x3FBA] =	sst s2  }
0x8f: {  	_ = 	snop  }
0x90: {  	(tm) =	ssettm $0x1  }
0x91: {  	s17 =	sld [smem:$0x3FFB];
	_ =	sdelay $0x3  }
0x92: {  	_ =	strace s17  }
0x93: {  	s2 =	sld [smem:$0x3FFC];
	_ =	sdelay $0x3  }
0x94: {  	_ =	strace s2  }
0x95: {  	s2 =	sld [smem:$0x3FFD];
	_ =	sdelay $0x3  }
0x96: {  	_ =	strace s2  }
0x97: {  	_ =	strace $0x8FFFFFFF  }
0x98: {  	s18 =	sld [smem:$0x3FDB];
	_ =	sdelay $0x1  }
0x99: {  	s19 =	simm.s32 $_scs_section_size  }
0x9a: {  	s4 =	simm.s32 $_size__tile_overlayer_lowered;
	s5 =	simm.s32 $_tile_overlayer_lowered  }
0x9b: {  	s22 =	simm.s32 $0x1BFF;
	s21 =	sshll.u32 s5, $0x1;
	s2 =	sadd.s32 s19, s18  }
0x9c: {  	s6 =	simm.s32 $0x0;
	s20 =	sshll.u32 s4, $0x1;
	s4 =	sadd.s32 s21, s2  }
0x9d: {  	[timem:s6], [sflag:s22] =	dma.local [hbm:s4], s20  }
0x9e: {  	_ =	swait.ge [sflag:s22], s20  }
0x9f: {  	s3 =	ssub.s32 $0x0, s20;
	[sflag:s22] =	ssyncset.done $0x0  }
0xa0: {  	[sflag:s22] =	ssyncadd.s32 s3;
	_ =	sdelay $0x1  }
0xa1: {  	s23 =	simm.s32 $0x1B8B  }
0xa2: {  	_ =	swait.ge [sflag:s23], $0x1  }
0xa3: {  	[sflag:s23] =	ssyncset.done $0x0  }
0xa4: {  	s25 =	simm.s32 $0x1B8E;
	s24 =	sld [smem:$0x3FFE];
	[sflag:s23] =	ssyncadd.s32 $0xFFFFFFFF  }
0xa5: {  	s26 =	simm.s32 $execute0_lowered;
	[smem:$0x3FD2] =	sst s25  }
0xa6: {  	s4 =	sshll.u32 s26, $0x1;
	_ =	strace $0x80000046;
	[dreg:$0x1] =	wrdreg $0xFFFFFFFF  }
0xa7: {  	s28 =	simm.s32 $_size_execute0_lowered;
	s2 =	sadd.s32 s2, s4;
	[dreg:$0x0] =	wrdreg $0x0  }
0xa8: {  	s4 =	sshll.u32 s28, $0x1;
	[dreg:$0x2] =	wrdreg s2  }
0xa9: {  	[dreg:$0x3] =	wrdreg s4  }
0xaa: {  	[dreg:$0x4] =	wrdreg $0xC0  }
0xab: {  	_ =	task [dreg:s6], $0x5FFFF  }
0xac: {  	[dreg:$0x1] =	wrdreg $0xFFFFFFFF  }
0xad: {  	[dreg:$0x0] =	wrdreg $0x60  }
0xae: {  	[dreg:$0x2] =	wrdreg s24  }
0xaf: {  	[dreg:$0x3] =	wrdreg $0x40800  }
0xb0: {  	[dreg:$0x4] =	wrdreg $0x9  }
0xb1: {  	_ =	task.clear_ibuf [dreg:s6], $0x5FFFF;
	_ =	strace $0x90000046  }
0xb2: {  	s29 =	simm.s32 $0x9;
	_ =	strace $0x80000048  }
0xb3: {  	_ =	swait.ge [sflag:s29], $0x1  }
0xb4: {  	[sflag:s29] =	ssyncadd.s32 $0xFFFFFFFF  }
0xb5: {  	_ =	strace $0x90000048  }
0xb6: {  	_ =	sfence  }
0xb7: {  	s30 =	sld [smem:$0x0];
	_ =	sdelay $0x2  }
0xb8: {  	s31 =	sshll.u32 s1, $0xD;
	s1 =	sshrl.u32 s1, $0x2  }
0xb9: {  	s3 =	sand.u32 $0x4000, s31;
	s1 =	sadd.s32 s1, s30  }
0xba: {  	s0 =	sor.u32 s3, s0;
	s1 =	sshll.u32 s1, $0x11  }
0xbb: {  	s0 =	sor.u32 s1, s0  }
0xbc: {  	s0 =	sadd.s32 $0x8F2B, s0  }
0xbd: {  	[sflag:s0] =	ssyncadd.remote.s32 $0x1  }
0xbe: {  	_ =	sfence.sel $0xFFFF  }
0xbf: {  	[dreg:$0x0] =	wrdreg $0xFFFFFFFF;
	(pc) =	sbr.abs _section_cstart, $3  }
0xc0: {  	[dreg:$0x1] =	wrdreg $0xFFFFFFFF  }
0xc1: {  	_ =	task.clear_ibuf [dreg:s6], $0x2FFFF;
	_ =	strace $0x9FFFFFFF  }
0xc2: {  	(tm) =	ssettm $0x7FFFFFFF  }
0xc3: {  	_ =	shalt  }
tec
execute0_lowered:
.L_overlay_start_1:
0x0: {  	(tag) =	ssettag $0x1  }
0x1: {  	s6 =	rddreg [dreg:$0x0]  }
0x2: {  	s0 =	srdreg.scid;
	s2 =	rddreg [dreg:$0x1]  }
0x3: {  	s1 =	rddreg [dreg:$0x2];
	s5 =	sand.u32 $0x1, s0  }
0x4: {  	s3 =	simm.s32 $0x0;
	s0 =	stileid.u32;
	s4 =	smul.u32 $0x4E2, s5  }
0x5: {  	s13 =	simm.s32 $0x1;
	s17 =	simm.s32 $0x0;
	s7 =	smul.u32 $0x4E, s0  }
0x6: {  	[smem:$0x7FF] =	sst s3;
	s10 =	sadd.s32 $0x34200, s6;
	s25 =	smul.u32 $0x2780, s0  }
0x7: {  	s14 =	sadd.s32 $0x128400, s2;
	s8 =	smin.u32 s0, $0x2;
	s9 =	smul.u32 $0x4F000, s0  }
0x8: {  	_ =	strace $0x80000047;
	s26 =	ssub.s32 $0x2, s5;
	s30 =	smul.u32 $0x138800, s5  }
0x9: {  	s31 =	smul.u32 $0x13C00, s0;
	p0 =	slt.u32 s0, $0x2;
	s28 =	sshrl.u32 s26, $0x1  }
0xa: {  	s4 =	sadd.s32 s7, s4;
	s7 =	sadd.s32 s25, s6;
	s12 =	ssub.s32 s26, s28  }
0xb: {  	s29 =	sshrl.u32 s9, $0x2;
	s9 =	sshrl.u32 s30, $0x3;
	s4 =	sadd.s32 s8, s4  }
0xc: {  	s16 =	sadd.s32 s29, s2;
	s5 =	sadd.s32 $0xC800, s7;
	s7 =	simm.s32 $0x4F  }
0xd: {  	s8 =	sadd.s32 s31, s30;
	s9 =	sadd.s32 s10, s9;
	s4 =	sshll.u32 s4, $0x4  }
0xe: {  	s7 =	simm.s32 @!p0 $0x4E;
	s8 =	sshrl.u32 s8, $0x3;
	s9 =	sadd.s32 $0x25080, s9  }
0xf: {  	p0 =	seq.s32 s0, $0xF;
	s11 =	sadd.s32 s4, s6;
	s4 =	sadd.s32 $0x33900, s6  }
0x10: {  	s6 =	sadd.s32 $0x31880, s6;
	s8 =	sadd.s32 s10, s8;
	s10 =	smax.u32 s12, $0x1  }
0x11: {  	s12 =	simm.s32 $0x80;
	s14 =	sshrl.u32 @p0 s14, $0x3;
	s15 =	sshll.u32 @!p0 s0, $0x6  }
0x12: {  	s16 =	sshrl.u32 @!p0 s16, $0x3;
	s11 =	sadd.s32 $0x2A00, s11;
	s15 =	sor.u32 @!p0 $0x1C01, s15  }
.LBB2_1:
0x13: {  	[tilespmem:s12], [sflag:$0x1] =	stream.linear.gather [hbm4b:s4+s3], $0x4000, $0x38;
	[tilespmem:$0x5408] =	vst v63  }
0x14: {  	_ =	swait.ge [sflag:s13], $0x4000  }
0x15: {  	[sflag:s13] =	ssyncset.done $0x0  }
0x16: {  	s20 =	simm.s32 @p0 $0x1FC1;
	s19 =	simm.s32 @p0 $0x1;
	[sflag:s13] =	ssyncadd.s32 $0xFFFFC000  }
0x17: {  	[spmem:s14], [sflag:s20] =	dma.local @p0 [hbm:s6], $0x2080  }
0x18: {  	_ =	swait.ge @p0 [sflag:s19], $0x2080  }
0x19: {  	[sflag:s19] =	ssyncset.done @p0 $0x0  }
0x1a: {  	s18 =	simm.s32 @!p0 $0x1;
	[sflag:s19] =	ssyncadd.s32 @p0 $0xFFFFDF80  }
0x1b: {  	[spmem:s16], [sflag:s15] =	dma.local @!p0 [hbm:s5], $0x2780  }
0x1c: {  	_ =	swait.ge @!p0 [sflag:s18], $0x2780  }
0x1d: {  	[sflag:s18] =	ssyncset.done @!p0 $0x0  }
0x1e: {  	[sflag:s18] =	ssyncadd.s32 @!p0 $0xFFFFD880  }
0x1f: {  	[bflag:$0x0] =	sbarrier.arrive $0xFFFF  }
0x20: {  	[tilespmem:s3], [sflag:$0x1] =	stream.linear.gather [hbm4b:s11+s3], $0x80, $0x38;
	[tilespmem:$0x5408] =	vst v63  }
0x21: {  	p1 =	sne.s32 s7, $0x1;
	_ =	swait.ge [sflag:s13], $0x80  }
.Ltmp0:
0x22: {  	[sflag:s13] =	ssyncset.done $0x0;
	(pc) =	sbr.rel @!p1 .LBB2_3-.Ltmp0, $4  }
0x23: {  	[sflag:s13] =	ssyncadd.s32 $0xFFFFFF80  }
0x24: {  	[spmem:s2] =	stream.indirect.scatter.add.f32 [tilespmem:s12], [sflag:$0x1], $0x8, s3, s12, $0xb8;
	[tilespmem:$0x5408] =	vst v63  }
0x25: {  	_ =	swait.ge [sflag:s13], $0x400  }
0x26: {  	s21 =	sadd.s32 $0xFFFFFFFF, s7;
	s22 =	smov.u32 s11;
	[sflag:s13] =	ssyncset.done $0x0  }
.LBB2_2:
0x27: {  	p1 =	sne.s32 s21, $0x1;
	[sflag:s13] =	ssyncadd.s32 $0xFFFFFC00;
	s22 =	sadd.s32 $0x10, s22  }
0x28: {  	[tilespmem:s3], [sflag:$0x1] =	stream.linear.gather [hbm4b:s22+s3], $0x80, $0x38;
	[tilespmem:$0x5408] =	vst v63  }
0x29: {  	s21 =	sadd.s32 $0xFFFFFFFF, s21;
	_ =	swait.ge [sflag:s13], $0x80  }
.Ltmp1:
0x2a: {  	[sflag:s13] =	ssyncset.done $0x0;
	(pc) =	sbr.rel @p1 .LBB2_2-.Ltmp1, $4  }
0x2b: {  	[sflag:s13] =	ssyncadd.s32 $0xFFFFFF80  }
0x2c: {  	[spmem:s2] =	stream.indirect.scatter.add.f32 [tilespmem:s12], [sflag:$0x1], $0x8, s3, s12, $0xb8;
	[tilespmem:$0x5408] =	vst v63  }
0x2d: {  	_ =	swait.ge [sflag:s13], $0x400  }
0x2e: {  	[sflag:s13] =	ssyncset.done $0x0  }
.LBB2_3:
0x2f: {  	[sflag:s13] =	ssyncadd.s32 $0xFFFFFC00  }
0x30: {  	[bflag:$0x0] =	sbarrier.arrive $0xFFFF  }
0x31: {  	[hbm:s9], [sflag:s20] =	dma.local @p0 [spmem:s14], $0x2080  }
0x32: {  	s17 =	sadd.s32 $0x1, s17;
	_ =	swait.ge @p0 [sflag:s19], $0x2080  }
0x33: {  	p1 =	sne.s32 s17, s10;
	[sflag:s19] =	ssyncset.done @p0 $0x0  }
.Ltmp2:
0x34: {  	[sflag:s19] =	ssyncadd.s32 @p0 $0xFFFFDF80;
	(pc) =	sbr.rel @p1 .LBB2_1-.Ltmp2, $4  }
0x35: {  	[hbm:s8], [sflag:s15] =	dma.local @!p0 [spmem:s16], $0x2780  }
0x36: {  	_ =	swait.ge @!p0 [sflag:s18], $0x2780  }
0x37: {  	[sflag:s18] =	ssyncset.done @!p0 $0x0  }
0x38: {  	[sflag:s18] =	ssyncadd.s32 @!p0 $0xFFFFD880  }
0x39: {  	_ =	sfence.sel $0x180000  }
0x3a: {  	[bflag:$0x0] =	sbarrier.arrive $0xFFFF  }
0x3b: {  	p0 =	sne.s32 s0, $0x0;
	_ =	strace $0x90000047  }
0x3c: {  	s0 =	sadd.s32 @!p0 $0x100000, s1;
	[bflag:$0x2] =	sbarrier.arrive $0xFFFF  }
0x3d: {  	[sflag:s0] =	ssyncadd.tile.s32 @!p0 $0x1;
	_ =	shalt  }
.Lfunc_end2:
_tile_overlayer_lowered:
.L_overlay_start_2:
0x3e: {  	(tag) =	ssettag $0x2  }
0x3f: {  	s0 =	rddreg [dreg:$0x0];
	s2 =	stileid.u32  }
0x40: {  	s1 =	rddreg [dreg:$0x1];
	p0 =	sne.s32 s2, $0x0  }
0x41: {  	s3 =	rddreg [dreg:$0x2];
	[bflag:$0x3] =	sbarrier.arrive $0xFFFF;
	s2 =	simm.s32 @!p0 $0x1C01  }
0x42: {  	[timem:s3], [sflag:s2] =	dma.local @!p0 [hbm:s0], s1  }
0x43: {  	s0 =	simm.s32 @!p0 $0x1  }
0x44: {  	_ =	swait.ge @!p0 [sflag:s0], s1  }
0x45: {  	s1 =	ssub.s32 @!p0 $0x0, s1;
	[sflag:s0] =	ssyncset.done @!p0 $0x0  }
0x46: {  	[sflag:s0] =	ssyncadd.s32 @!p0 s1  }
0x47: {  	[bflag:$0x3] =	sbarrier.arrive $0xFFFF  }
0x48: {  	_ =	shalt  }

</sc_bundles>
